<compile_context>
chip_gen: v7x
topology: tpu7x:2x2x1
jax: 0.10.2.dev20260603
libtpu: 0.0.44.dev20260713+nightly
codegen_flags: <defaults>
</compile_context>

<pallas_src>
import functools

import jax
import jax.numpy as jnp
from jax import lax
from jax.experimental import pallas as pl
from jax.experimental.pallas import tpu as pltpu
from jax.experimental.pallas import tpu_sc as plsc

_THRESH = 0.7
_NLOG_THRESH = 0.35667494393873245
_N_MIN = 262144
_HB = 256

_SC_NW = 16
_SC_BINS = 1024
_SC_CH = 8192


def _softmax_pick(lg_ref, lb_ref):
    c = lg_ref.shape[1]
    lb = lb_ref[0]
    x0 = lg_ref[0, 0]
    s = jnp.exp(x0)
    xl = jnp.where(lb == 0, x0, 0.0)
    for ci in range(1, c):
        xc = lg_ref[0, ci]
        s = s + jnp.exp(xc)
        xl = xl + jnp.where(lb == ci, xc, 0.0)
    return s, xl


def _accum(stats_ref, pvec):
    first = jnp.logical_and(pl.program_id(0) == 0, pl.program_id(1) == 0)

    @pl.when(first)
    def _():
        stats_ref[...] = pvec

    @pl.when(jnp.logical_not(first))
    def _():
        stats_ref[...] += pvec


def _pass1_body(lg_ref, lb_ref, stats_ref):
    s, xl = _softmax_pick(lg_ref, lb_ref)
    nll = jnp.log(s) - xl
    le_mask = nll >= _NLOG_THRESH
    c_le = jnp.sum(le_mask.astype(jnp.float32))
    s_nll = jnp.sum(jnp.where(le_mask, nll, 0.0))
    lanes = lax.broadcasted_iota(jnp.int32, (1, 128), 1)
    pvec = (jnp.where(lanes == 1, c_le, 0.0)
            + jnp.where(lanes == 2, s_nll, 0.0))
    _accum(stats_ref, pvec)


def _picks_body(lg_ref, lb_ref, picks_ref):
    s, xl = _softmax_pick(lg_ref, lb_ref)
    picks_ref[0] = jnp.exp(xl) / s


def _sc_select(picks_flat):
    total = picks_flat.shape[0]
    per_w = total // _SC_NW
    nch = per_w // _SC_CH
    mesh = plsc.VectorSubcoreMesh(
        core_axis_name="c", subcore_axis_name="s", num_cores=1,
        num_subcores=_SC_NW)

    @functools.partial(
        pl.kernel,
        out_type=jax.ShapeDtypeStruct((16,), jnp.float32),
        mesh=mesh,
        compiler_params=pltpu.CompilerParams(needs_layout_passes=False),
        scratch_types=[
            pltpu.VMEM((_SC_CH,), jnp.float32),
            pltpu.VMEM((16 * _SC_BINS,), jnp.int32),
            pltpu.VMEM((_SC_BINS,), jnp.int32),
            pltpu.VMEM((_SC_NW, _SC_BINS), jnp.int32),
            pltpu.VMEM((16,), jnp.float32),
            pltpu.VMEM_SHARED((_SC_NW, _SC_BINS), jnp.int32),
        ],
    )
    def body(picks_hbm, out_hbm, chunk_v, hist_v, merged_v, allh_v, outst_v,
             shared):
        wid = lax.axis_index("s")
        lanes = lax.iota(jnp.int32, 16)
        zero16 = jnp.zeros((16,), jnp.int32)
        one16 = jnp.ones((16,), jnp.int32)

        r = jnp.int32(_N_MIN + 1)
        p = jnp.int32(0)

        for pass_i in range(3):
            shift = 20 - 10 * pass_i

            def zb(i, carry):
                hist_v[pl.ds(i * 16, 16)] = zero16
                return carry

            lax.fori_loop(0, 16 * _SC_BINS // 16, zb, 0)

            psplat = jnp.full((16,), p, jnp.int32)

            def elem_body(i, carry):
                v = chunk_v[pl.ds(i * 16, 16)]
                u = plsc.bitcast(v, jnp.int32)
                b = lax.shift_right_logical(u, shift)
                if pass_i == 0:
                    bin_ = b
                    mask = None
                else:
                    bin_ = lax.bitwise_and(b, jnp.full((16,), 0x3FF, jnp.int32))
                    mask = lax.shift_right_logical(u, shift + 10) == psplat
                addr = lanes * _SC_BINS + bin_
                plsc.addupdate_scatter(hist_v, [addr], one16, mask=mask)
                return carry

            def chunk_body(ch, carry):
                base = wid * per_w + ch * _SC_CH
                pltpu.sync_copy(picks_hbm.at[pl.ds(base, _SC_CH)], chunk_v)
                lax.fori_loop(0, _SC_CH // 16, elem_body, 0)
                return carry

            lax.fori_loop(0, nch, chunk_body, 0)

            def merge_g(g, carry):
                def ml(l, acc):
                    return acc + hist_v[pl.ds(l * _SC_BINS + g * 16, 16)]

                merged_v[pl.ds(g * 16, 16)] = lax.fori_loop(0, 16, ml, zero16)
                return carry

            lax.fori_loop(0, _SC_BINS // 16, merge_g, 0)

            pltpu.sync_copy(merged_v, shared.at[wid])
            plsc.subcore_barrier()
            pltpu.sync_copy(shared, allh_v)
            plsc.subcore_barrier()

            def scan_g(g, carry):
                cum, found, bin_abs, cum_before = carry

                def mw(wi, acc):
                    return acc + allh_v[wi, pl.ds(g * 16, 16)]

                v = lax.fori_loop(0, _SC_NW, mw, zero16)
                gs = jnp.sum(v)
                cs = plsc.cumsum(v)
                rspl = jnp.full((16,), r, jnp.int32)
                cross = (cs + jnp.full((16,), cum, jnp.int32)) >= rspl
                fl = jnp.max(plsc.all_reduce_ffs(cross))
                sel = lanes == jnp.full((16,), fl, jnp.int32)
                cs_at = jnp.sum(jnp.where(sel, cs, 0))
                v_at = jnp.sum(jnp.where(sel, v, 0))
                hit = jnp.logical_and(found == 0, cum + gs >= r)
                bin_abs = jnp.where(hit, g * 16 + fl, bin_abs)
                cum_before = jnp.where(hit, cum + cs_at - v_at, cum_before)
                found = jnp.where(hit, jnp.int32(1), found)
                return (cum + gs, found, bin_abs, cum_before)

            _, _, bin_abs, cum_before = lax.fori_loop(
                0, _SC_BINS // 16, scan_g,
                (jnp.int32(0), jnp.int32(0), jnp.int32(0), jnp.int32(0)))

            p = p * _SC_BINS + bin_abs
            r = r - cum_before

        tf = plsc.bitcast(jnp.full((16,), p, jnp.int32), jnp.float32)
        outst_v[...] = jnp.maximum(tf, jnp.full((16,), _THRESH, jnp.float32))

        @pl.when(wid == 0)
        def _():
            pltpu.sync_copy(outst_v, out_hbm)

    return body(picks_flat)


def _finish_body(picks_ref, th_ref, out_ref):
    p = picks_ref[...]
    th = th_ref[0, 0]
    valid = p <= th
    cnt = jnp.sum(valid.astype(jnp.float32))
    s_nll = jnp.sum(jnp.where(valid, -jnp.log(p), 0.0))
    lanes = lax.broadcasted_iota(jnp.int32, (1, 128), 1)
    out_ref[...] = (jnp.where(lanes == 0, cnt, 0.0)
                    + jnp.where(lanes == 1, s_nll, 0.0))


def kernel(logits, labels):
    n, c, h, w = logits.shape
    lb = labels.astype(jnp.int32)

    in_specs = [
        pl.BlockSpec((1, c, _HB, w), lambda i, j: (i, 0, j, 0)),
        pl.BlockSpec((1, _HB, w), lambda i, j: (i, j, 0)),
    ]
    grid = (n, h // _HB)

    stats = pl.pallas_call(
        _pass1_body,
        grid=grid,
        in_specs=in_specs,
        out_specs=pl.BlockSpec((1, 128), lambda i, j: (0, 0)),
        out_shape=jax.ShapeDtypeStruct((1, 128), jnp.float32),
    )(logits, lb)

    c_le = stats[0, 1]
    s_nll = stats[0, 2]

    def fast_path():
        return s_nll / jnp.maximum(c_le, 1.0)

    def slow_path():
        picks = pl.pallas_call(
            _picks_body,
            grid=grid,
            in_specs=in_specs,
            out_specs=pl.BlockSpec((1, _HB, w), lambda i, j: (i, j, 0)),
            out_shape=jax.ShapeDtypeStruct((n, h, w), jnp.float32),
        )(logits, lb)
        thresh = _sc_select(picks.reshape(-1))[0]
        sel = pl.pallas_call(
            _finish_body,
            out_shape=jax.ShapeDtypeStruct((1, 128), jnp.float32),
        )(picks, jnp.full((1, 128), thresh, jnp.float32))
        return sel[0, 1] / jnp.maximum(sel[0, 0], 1.0)

    return lax.cond(c_le >= _N_MIN + 1, fast_path, slow_path)

# --- scband reference (transcript-rebuilt; emitter-appended) ---
"""Pipeline reference for scband-ohem-celoss-47081431498857 (READ-ONLY COPY).

The authoritative reference and input builder live on the scoring server;
editing this copy changes nothing except your own understanding.
"""

import jax, jax.numpy as jnp
import numpy as np

THRESH = 0.7
N_MIN = 262144
IGNORE = 255


def setup_inputs(seed: int = 0) -> dict:
    key = jax.random.key(seed)
    k1, k2 = jax.random.split(key)
    logits = jax.random.normal(k1, (16, 19, 512, 512), dtype=jnp.float32)
    labels = jax.random.randint(k2, (16, 512, 512), 0, 19).astype(jnp.int64)
    return {"logits": logits, "labels": labels}


def reference(logits, labels):
    N, C, H, W = logits.shape
    n_pixs = N * H * W
    lg = jnp.transpose(logits, (0, 2, 3, 1)).reshape(-1, C)
    lb = labels.reshape(-1).astype(jnp.int32)
    # --- OHEM pixel selection (no-grad block in torch) ---
    scores = jax.nn.softmax(lg, axis=1)
    invalid_mask = lb == IGNORE
    labels_cpu = jnp.where(invalid_mask, 0, lb)
    picks = scores[jnp.arange(n_pixs), labels_cpu]
    picks = jnp.where(invalid_mask, 1.0, picks)
    sorteds = jnp.sort(picks)
    thresh = jnp.where(sorteds[N_MIN] < THRESH, THRESH, sorteds[N_MIN])
    lb = jnp.where(picks > thresh, IGNORE, lb)
    # --- CrossEntropyLoss with ignore_index (mean over valid pixels) ---
    valid = lb != IGNORE
    logp = jax.nn.log_softmax(lg, axis=1)
    safe_lb = jnp.where(valid, lb, 0)
    nll = -logp[jnp.arange(n_pixs), safe_lb]
    n_valid = jnp.maximum(jnp.sum(valid.astype(jnp.float32)), 1.0)
    loss = jnp.sum(jnp.where(valid, nll, 0.0)) / n_valid
    return loss

if __name__ == "__main__":
    import jax
    _d = setup_inputs()
    print(jax.jit(kernel)(*tuple(_d.values())))

</pallas_src>

<mosaic_0001>
#map = affine_map<(d0, d1) -> (0)>
module attributes {stable_mosaic.version = 14 : i64} {
  func.func @body(%arg0: i32, %arg1: i32, %arg2: memref<4194304xf32, #tpu.memory_space<hbm>>, %arg3: memref<16xf32, #tpu.memory_space<hbm>>, %arg4: memref<8192xf32, #tpu.memory_space<vmem>>, %arg5: memref<16384xi32, #tpu.memory_space<vmem>>, %arg6: memref<1024xi32, #tpu.memory_space<vmem>>, %arg7: memref<16x1024xi32, #tpu.memory_space<vmem>>, %arg8: memref<16xf32, #tpu.memory_space<vmem>>, %arg9: memref<16x1024xi32, #tpu.memory_space<vmem_shared>>) attributes {dimension_semantics = [#tpu.dimension_semantics<core_parallel>, #tpu.dimension_semantics<subcore_parallel>], iteration_bounds = array<i64: 1, 16>, scalar_prefetch = 0 : i64, scratch_operands = 6 : i64, tpu.core_type = #tpu.core_type<sc_vector_subcore>, window_params = [{transform_indices = #map}, {transform_indices = #map}]} {
    %iota3A = tpu.iota {dimensions = array<i32: 0>} : vector<16xi32>
    %broadcast_in_dim3A = arith.constant 0 : i32
    %broadcast_in_dim3A_0 = vector.broadcast %broadcast_in_dim3A : i32 to vector<16xi32>
    %broadcast_in_dim3A_1 = arith.constant 1 : i32
    %broadcast_in_dim3A_2 = vector.broadcast %broadcast_in_dim3A_1 : i32 to vector<16xi32>
    %scan3A = arith.constant 0 : i32
    %scan3A_3 = arith.constant 0 : i32
    %scan3A_4 = arith.constant 1024 : i32
    %scan3A_5 = arith.addi %scan3A_3, %scan3A_4 : i32
    %scan3A_6 = arith.constant 1 : i32
    scf.for %scan3A_113 = %scan3A_3 to %scan3A_5 step %scan3A_6  : i32 {
      %mul3A_114 = arith.constant 16 : i32
      %mul3A_115 = arith.muli %scan3A_113, %mul3A_114 : i32
      %swap3A_116 = arith.index_cast %mul3A_115 : i32 to index
      %swap3A_117 = tpu.vector_load %arg5[%swap3A_116] {strides = array<i32>} : memref<16384xi32, #tpu.memory_space<vmem>>, vector<16xi32>,
      tpu.vector_store %arg5[%swap3A_116], %broadcast_in_dim3A_0 {strides = array<i32>} : memref<16384xi32, #tpu.memory_space<vmem>>, vector<16xi32>,
    }
    %scan3A_7 = arith.constant 1024 : i32
    %broadcast_in_dim3A_8 = arith.constant 0 : i32
    %broadcast_in_dim3A_9 = vector.broadcast %broadcast_in_dim3A_8 : i32 to vector<16xi32>
    %scan3A_10 = arith.constant 0 : i32
    %scan3A_11 = arith.constant 0 : i32
    %scan3A_12 = arith.constant 32 : i32
    %scan3A_13 = arith.addi %scan3A_11, %scan3A_12 : i32
    %scan3A_14 = arith.constant 1 : i32
    scf.for %scan3A_113 = %scan3A_11 to %scan3A_13 step %scan3A_14  : i32 {
      %mul3A_114 = arith.constant 262144 : i32
      %mul3A_115 = arith.muli %arg1, %mul3A_114 : i32
      %mul3A_116 = arith.constant 8192 : i32
      %mul3A_117 = arith.muli %scan3A_113, %mul3A_116 : i32
      %add3A_118 = arith.addi %mul3A_115, %mul3A_117 : i32
      "tpu.region"() ({
        %run_scoped3A = tpu.sem_alloc : memref<!tpu.dma_semaphore, #tpu.memory_space<semaphore_mem>>
        %dma_start3A = tpu.memref_slice %arg2[%add3A_118] : memref<4194304xf32, #tpu.memory_space<hbm>> -> memref<8192xf32, #tpu.memory_space<hbm>>
        %dma_start3A_125 = tpu.memref_slice %arg2[%add3A_118] : memref<4194304xf32, #tpu.memory_space<hbm>> -> memref<8192xf32, #tpu.memory_space<hbm>>
        tpu.enqueue_dma source(%dma_start3A_125 : memref<8192xf32, #tpu.memory_space<hbm>>) target(%arg4 : memref<8192xf32, #tpu.memory_space<vmem>>) target_semaphore(%run_scoped3A : memref<!tpu.dma_semaphore, #tpu.memory_space<semaphore_mem>>)
        %dma_wait3A = tpu.memref_slice %arg2[%add3A_118] : memref<4194304xf32, #tpu.memory_space<hbm>> -> memref<8192xf32, #tpu.memory_space<hbm>>
        %dma_wait3A_126 = tpu.memref_slice %arg2[%add3A_118] : memref<4194304xf32, #tpu.memory_space<hbm>> -> memref<8192xf32, #tpu.memory_space<hbm>>
        tpu.wait_dma2 semaphore(%run_scoped3A : memref<!tpu.dma_semaphore, #tpu.memory_space<semaphore_mem>>) src(%dma_wait3A_126 : memref<8192xf32, #tpu.memory_space<hbm>>) dst(%arg4 : memref<8192xf32, #tpu.memory_space<vmem>>)
        tpu.yield
      }) : () -> ()
      %scan3A_119 = arith.constant 0 : i32
      %scan3A_120 = arith.constant 0 : i32
      %scan3A_121 = arith.constant 512 : i32
      %scan3A_122 = arith.addi %scan3A_120, %scan3A_121 : i32
      %scan3A_123 = arith.constant 1 : i32
      scf.for %scan3A_125 = %scan3A_120 to %scan3A_122 step %scan3A_123  : i32 {
        %mul3A_126 = arith.constant 16 : i32
        %mul3A_127 = arith.muli %scan3A_125, %mul3A_126 : i32
        %get3A = arith.index_cast %mul3A_127 : i32 to index
        %get3A_128 = tpu.vector_load %arg4[%get3A] {strides = array<i32>} : memref<8192xf32, #tpu.memory_space<vmem>>, vector<16xf32>,
        %bitcast3A_129 = vector.bitcast %get3A_128 : vector<16xf32> to vector<16xi32>
        %shift_right_logical3A = arith.constant 20 : i32
        %shift_right_logical3A_130 = vector.broadcast %shift_right_logical3A : i32 to vector<16xi32>
        %shift_right_logical3A_131 = arith.shrui %bitcast3A_129, %shift_right_logical3A_130 : vector<16xi32>
        %mul3A_132 = arith.constant 1024 : i32
        %mul3A_133 = vector.broadcast %mul3A_132 : i32 to vector<16xi32>
        %mul3A_134 = arith.muli %iota3A, %mul3A_133 : vector<16xi32>
        %add3A_135 = arith.addi %mul3A_134, %shift_right_logical3A_131 : vector<16xi32>
        tpu.vector_store_idx %arg5[%add3A_135], %broadcast_in_dim3A_2 {add = true} : memref<16384xi32, #tpu.memory_space<vmem>>[vector<16xi32>], vector<16xi32>,
      }
      %scan3A_124 = arith.constant 512 : i32
    }
    %scan3A_15 = arith.constant 32 : i32
    %scan3A_16 = arith.constant 0 : i32
    %scan3A_17 = arith.constant 0 : i32
    %scan3A_18 = arith.constant 64 : i32
    %scan3A_19 = arith.addi %scan3A_17, %scan3A_18 : i32
    %scan3A_20 = arith.constant 1 : i32
    scf.for %scan3A_113 = %scan3A_17 to %scan3A_19 step %scan3A_20  : i32 {
      %scan3A_114 = arith.constant 0 : i32
      %scan3A_115 = arith.constant 16 : i32
      %scan3A_116 = arith.addi %scan3A_114, %scan3A_115 : i32
      %scan3A_117 = arith.constant 1 : i32
      %scan3A_118 = scf.for %scan3A_124 = %scan3A_114 to %scan3A_116 step %scan3A_117 iter_args(%scan3A_125 = %broadcast_in_dim3A_0) -> (vector<16xi32>)  : i32 {
        %mul3A_126 = arith.constant 1024 : i32
        %mul3A_127 = arith.muli %scan3A_124, %mul3A_126 : i32
        %mul3A_128 = arith.constant 16 : i32
        %mul3A_129 = arith.muli %scan3A_113, %mul3A_128 : i32
        %add3A_130 = arith.addi %mul3A_127, %mul3A_129 : i32
        %get3A = arith.index_cast %add3A_130 : i32 to index
        %get3A_131 = tpu.vector_load %arg5[%get3A] {strides = array<i32>} : memref<16384xi32, #tpu.memory_space<vmem>>, vector<16xi32>,
        %add3A_132 = arith.addi %scan3A_125, %get3A_131 : vector<16xi32>
        scf.yield %add3A_132 : vector<16xi32>
      }
      %scan3A_119 = arith.constant 16 : i32
      %mul3A_120 = arith.constant 16 : i32
      %mul3A_121 = arith.muli %scan3A_113, %mul3A_120 : i32
      %swap3A_122 = arith.index_cast %mul3A_121 : i32 to index
      %swap3A_123 = tpu.vector_load %arg6[%swap3A_122] {strides = array<i32>} : memref<1024xi32, #tpu.memory_space<vmem>>, vector<16xi32>,
      tpu.vector_store %arg6[%swap3A_122], %scan3A_118 {strides = array<i32>} : memref<1024xi32, #tpu.memory_space<vmem>>, vector<16xi32>,
    }
    %scan3A_21 = arith.constant 64 : i32
    "tpu.region"() ({
      %run_scoped3A = tpu.sem_alloc : memref<!tpu.dma_semaphore, #tpu.memory_space<semaphore_mem>>
      %dma_start3A = arith.constant 0 : i32
      %dma_start3A_113 = tpu.memref_slice %arg9[%arg1, %dma_start3A] : memref<16x1024xi32, #tpu.memory_space<vmem_shared>> -> memref<1x1024xi32, #tpu.memory_space<vmem_shared>>
      %dma_start3A_114 = tpu.memref_squeeze %dma_start3A_113 : memref<1x1024xi32, #tpu.memory_space<vmem_shared>> -> memref<1024xi32, #tpu.memory_space<vmem_shared>>
      %dma_start3A_115 = arith.constant 0 : i32
      %dma_start3A_116 = tpu.memref_slice %arg9[%arg1, %dma_start3A_115] : memref<16x1024xi32, #tpu.memory_space<vmem_shared>> -> memref<1x1024xi32, #tpu.memory_space<vmem_shared>>
      %dma_start3A_117 = tpu.memref_squeeze %dma_start3A_116 : memref<1x1024xi32, #tpu.memory_space<vmem_shared>> -> memref<1024xi32, #tpu.memory_space<vmem_shared>>
      tpu.enqueue_dma source(%arg6 : memref<1024xi32, #tpu.memory_space<vmem>>) target(%dma_start3A_117 : memref<1024xi32, #tpu.memory_space<vmem_shared>>) target_semaphore(%run_scoped3A : memref<!tpu.dma_semaphore, #tpu.memory_space<semaphore_mem>>)
      %dma_wait3A = arith.constant 0 : i32
      %dma_wait3A_118 = tpu.memref_slice %arg9[%arg1, %dma_wait3A] : memref<16x1024xi32, #tpu.memory_space<vmem_shared>> -> memref<1x1024xi32, #tpu.memory_space<vmem_shared>>
      %dma_wait3A_119 = tpu.memref_squeeze %dma_wait3A_118 : memref<1x1024xi32, #tpu.memory_space<vmem_shared>> -> memref<1024xi32, #tpu.memory_space<vmem_shared>>
      %dma_wait3A_120 = arith.constant 0 : i32
      %dma_wait3A_121 = tpu.memref_slice %arg9[%arg1, %dma_wait3A_120] : memref<16x1024xi32, #tpu.memory_space<vmem_shared>> -> memref<1x1024xi32, #tpu.memory_space<vmem_shared>>
      %dma_wait3A_122 = tpu.memref_squeeze %dma_wait3A_121 : memref<1x1024xi32, #tpu.memory_space<vmem_shared>> -> memref<1024xi32, #tpu.memory_space<vmem_shared>>
      tpu.wait_dma2 semaphore(%run_scoped3A : memref<!tpu.dma_semaphore, #tpu.memory_space<semaphore_mem>>) src(%arg6 : memref<1024xi32, #tpu.memory_space<vmem>>) dst(%dma_wait3A_122 : memref<1024xi32, #tpu.memory_space<vmem_shared>>)
      tpu.yield
    }) : () -> ()
    %barrier3A = arith.constant 0 : index
    tpu.barrier barrier_id(%barrier3A)
    "tpu.region"() ({
      %run_scoped3A = tpu.sem_alloc : memref<!tpu.dma_semaphore, #tpu.memory_space<semaphore_mem>>
      tpu.enqueue_dma source(%arg9 : memref<16x1024xi32, #tpu.memory_space<vmem_shared>>) target(%arg7 : memref<16x1024xi32, #tpu.memory_space<vmem>>) target_semaphore(%run_scoped3A : memref<!tpu.dma_semaphore, #tpu.memory_space<semaphore_mem>>)
      tpu.wait_dma2 semaphore(%run_scoped3A : memref<!tpu.dma_semaphore, #tpu.memory_space<semaphore_mem>>) src(%arg9 : memref<16x1024xi32, #tpu.memory_space<vmem_shared>>) dst(%arg7 : memref<16x1024xi32, #tpu.memory_space<vmem>>)
      tpu.yield
    }) : () -> ()
    %barrier3A_22 = arith.constant 0 : index
    tpu.barrier barrier_id(%barrier3A_22)
    %scan3A_23 = arith.constant 262145 : i32
    %scan3A_24 = arith.constant 0 : i32
    %scan3A_25 = arith.constant 0 : i32
    %scan3A_26 = arith.constant 0 : i32
    %scan3A_27 = arith.constant 0 : i32
    %scan3A_28 = arith.constant 0 : i32
    %scan3A_29 = arith.constant 64 : i32
    %scan3A_30 = arith.addi %scan3A_28, %scan3A_29 : i32
    %scan3A_31 = arith.constant 1 : i32
    %scan3A_32:4 = scf.for %scan3A_113 = %scan3A_28 to %scan3A_30 step %scan3A_31 iter_args(%scan3A_114 = %scan3A_24, %scan3A_115 = %scan3A_25, %scan3A_116 = %scan3A_26, %scan3A_117 = %scan3A_27) -> (i32, i32, i32, i32)  : i32 {
      %scan3A_118 = arith.constant 0 : i32
      %scan3A_119 = arith.constant 16 : i32
      %scan3A_120 = arith.addi %scan3A_118, %scan3A_119 : i32
      %scan3A_121 = arith.constant 1 : i32
      %scan3A_122 = scf.for %scan3A_167 = %scan3A_118 to %scan3A_120 step %scan3A_121 iter_args(%scan3A_168 = %broadcast_in_dim3A_0) -> (vector<16xi32>)  : i32 {
        %mul3A_169 = arith.constant 16 : i32
        %mul3A_170 = arith.muli %scan3A_113, %mul3A_169 : i32
        %get3A = arith.index_cast %scan3A_167 : i32 to index
        %get3A_171 = arith.index_cast %mul3A_170 : i32 to index
        %get3A_172 = tpu.vector_load %arg7[%get3A, %get3A_171] {strides = array<i32>} : memref<16x1024xi32, #tpu.memory_space<vmem>>, vector<16xi32>,
        %add3A_173 = arith.addi %scan3A_168, %get3A_172 : vector<16xi32>
        scf.yield %add3A_173 : vector<16xi32>
      }
      %scan3A_123 = arith.constant 16 : i32
      %reduce_sum3A = arith.constant true
      %reduce_sum3A_124 = vector.broadcast %reduce_sum3A : i1 to vector<16xi1>
      %reduce_sum3A_125 = tpu.scan <sum>, %scan3A_122 masked %reduce_sum3A_124 : vector<16xi32>, vector<16xi1> -> vector<16xi32>
      %reduce_sum3A_126 = vector.extract %reduce_sum3A_125[15] : i32 from vector<16xi32>
      %broadcast_in_dim3A_127 = arith.constant true
      %broadcast_in_dim3A_128 = vector.broadcast %broadcast_in_dim3A_127 : i1 to vector<16xi1>
      %masked_cumsum3A = tpu.scan <sum>, %scan3A_122 masked %broadcast_in_dim3A_128 : vector<16xi32>, vector<16xi1> -> vector<16xi32>
      %broadcast_in_dim3A_129 = vector.broadcast %scan3A_23 : i32 to vector<16xi32>
      %broadcast_in_dim3A_130 = vector.broadcast %scan3A_114 : i32 to vector<16xi32>
      %add3A_131 = arith.addi %masked_cumsum3A, %broadcast_in_dim3A_130 : vector<16xi32>
      %ge3A = arith.cmpi sge, %add3A_131, %broadcast_in_dim3A_129 : vector<16xi32>
      %all_reduce_ffs3A = tpu.all_reduce %ge3A {dim = 0 : i64, kind = #tpu.reduction_kind<find_first_set>} : vector<16xi1> -> vector<16xi32>
      %reduce_max3A = arith.constant true
      %reduce_max3A_132 = vector.broadcast %reduce_max3A : i1 to vector<16xi1>
      %reduce_max3A_133 = arith.constant -2147483648 : i32
      %reduce_max3A_134 = vector.broadcast %reduce_max3A_133 : i32 to vector<16xi32>
      %reduce_max3A_135 = arith.xori %all_reduce_ffs3A, %reduce_max3A_134 : vector<16xi32>
      %reduce_max3A_136 = tpu.scan <max>, %reduce_max3A_135 masked %reduce_max3A_132 : vector<16xi32>, vector<16xi1> -> vector<16xi32>
      %reduce_max3A_137 = arith.xori %reduce_max3A_136, %reduce_max3A_134 : vector<16xi32>
      %reduce_max3A_138 = vector.extract %reduce_max3A_137[15] : i32 from vector<16xi32>
      %broadcast_in_dim3A_139 = vector.broadcast %reduce_max3A_138 : i32 to vector<16xi32>
      %eq3A_140 = arith.cmpi eq, %iota3A, %broadcast_in_dim3A_139 : vector<16xi32>
      %jit3A = arith.constant 0 : i32
      %broadcast_in_dim3A_141 = vector.broadcast %jit3A : i32 to vector<16xi32>
      %select_n3A = arith.select %eq3A_140, %masked_cumsum3A, %broadcast_in_dim3A_141 : vector<16xi1>, vector<16xi32>
      %reduce_sum3A_142 = arith.constant true
      %reduce_sum3A_143 = vector.broadcast %reduce_sum3A_142 : i1 to vector<16xi1>
      %reduce_sum3A_144 = tpu.scan <sum>, %select_n3A masked %reduce_sum3A_143 : vector<16xi32>, vector<16xi1> -> vector<16xi32>
      %reduce_sum3A_145 = vector.extract %reduce_sum3A_144[15] : i32 from vector<16xi32>
      %jit3A_146 = arith.constant 0 : i32
      %broadcast_in_dim3A_147 = vector.broadcast %jit3A_146 : i32 to vector<16xi32>
      %select_n3A_148 = arith.select %eq3A_140, %scan3A_122, %broadcast_in_dim3A_147 : vector<16xi1>, vector<16xi32>
      %reduce_sum3A_149 = arith.constant true
      %reduce_sum3A_150 = vector.broadcast %reduce_sum3A_149 : i1 to vector<16xi1>
      %reduce_sum3A_151 = tpu.scan <sum>, %select_n3A_148 masked %reduce_sum3A_150 : vector<16xi32>, vector<16xi1> -> vector<16xi32>
      %reduce_sum3A_152 = vector.extract %reduce_sum3A_151[15] : i32 from vector<16xi32>
      %eq3A_153 = arith.constant 0 : i32
      %eq3A_154 = arith.cmpi eq, %scan3A_115, %eq3A_153 : i32
      %add3A_155 = arith.addi %scan3A_114, %reduce_sum3A_126 : i32
      %ge3A_156 = arith.cmpi sge, %add3A_155, %scan3A_23 : i32
      %and3A = arith.andi %eq3A_154, %ge3A_156 : i1
      %mul3A_157 = arith.constant 16 : i32
      %mul3A_158 = arith.muli %scan3A_113, %mul3A_157 : i32
      %add3A_159 = arith.addi %mul3A_158, %reduce_max3A_138 : i32
      %select_n3A_160 = arith.select %and3A, %add3A_159, %scan3A_116 : i32
      %add3A_161 = arith.addi %scan3A_114, %reduce_sum3A_145 : i32
      %sub3A_162 = arith.subi %add3A_161, %reduce_sum3A_152 : i32
      %select_n3A_163 = arith.select %and3A, %sub3A_162, %scan3A_117 : i32
      %jit3A_164 = arith.constant 1 : i32
      %select_n3A_165 = arith.select %and3A, %jit3A_164, %scan3A_115 : i32
      %add3A_166 = arith.addi %scan3A_114, %reduce_sum3A_126 : i32
      scf.yield %add3A_166, %select_n3A_165, %select_n3A_160, %select_n3A_163 : i32, i32, i32, i32
    }
    %scan3A_33 = arith.constant 64 : i32
    %mul3A = arith.constant 0 : i32
    %mul3A_34 = arith.constant 1024 : i32
    %mul3A_35 = arith.muli %mul3A, %mul3A_34 : i32
    %add3A = arith.addi %mul3A_35, %scan3A_32#2 : i32
    %sub3A = arith.constant 262145 : i32
    %sub3A_36 = arith.subi %sub3A, %scan3A_32#3 : i32
    %scan3A_37 = arith.constant 0 : i32
    %scan3A_38 = arith.constant 0 : i32
    %scan3A_39 = arith.constant 1024 : i32
    %scan3A_40 = arith.addi %scan3A_38, %scan3A_39 : i32
    %scan3A_41 = arith.constant 1 : i32
    scf.for %scan3A_113 = %scan3A_38 to %scan3A_40 step %scan3A_41  : i32 {
      %mul3A_114 = arith.constant 16 : i32
      %mul3A_115 = arith.muli %scan3A_113, %mul3A_114 : i32
      %swap3A_116 = arith.index_cast %mul3A_115 : i32 to index
      %swap3A_117 = tpu.vector_load %arg5[%swap3A_116] {strides = array<i32>} : memref<16384xi32, #tpu.memory_space<vmem>>, vector<16xi32>,
      tpu.vector_store %arg5[%swap3A_116], %broadcast_in_dim3A_0 {strides = array<i32>} : memref<16384xi32, #tpu.memory_space<vmem>>, vector<16xi32>,
    }
    %scan3A_42 = arith.constant 1024 : i32
    %broadcast_in_dim3A_43 = vector.broadcast %add3A : i32 to vector<16xi32>
    %scan3A_44 = arith.constant 0 : i32
    %scan3A_45 = arith.constant 0 : i32
    %scan3A_46 = arith.constant 32 : i32
    %scan3A_47 = arith.addi %scan3A_45, %scan3A_46 : i32
    %scan3A_48 = arith.constant 1 : i32
    scf.for %scan3A_113 = %scan3A_45 to %scan3A_47 step %scan3A_48  : i32 {
      %mul3A_114 = arith.constant 262144 : i32
      %mul3A_115 = arith.muli %arg1, %mul3A_114 : i32
      %mul3A_116 = arith.constant 8192 : i32
      %mul3A_117 = arith.muli %scan3A_113, %mul3A_116 : i32
      %add3A_118 = arith.addi %mul3A_115, %mul3A_117 : i32
      "tpu.region"() ({
        %run_scoped3A = tpu.sem_alloc : memref<!tpu.dma_semaphore, #tpu.memory_space<semaphore_mem>>
        %dma_start3A = tpu.memref_slice %arg2[%add3A_118] : memref<4194304xf32, #tpu.memory_space<hbm>> -> memref<8192xf32, #tpu.memory_space<hbm>>
        %dma_start3A_125 = tpu.memref_slice %arg2[%add3A_118] : memref<4194304xf32, #tpu.memory_space<hbm>> -> memref<8192xf32, #tpu.memory_space<hbm>>
        tpu.enqueue_dma source(%dma_start3A_125 : memref<8192xf32, #tpu.memory_space<hbm>>) target(%arg4 : memref<8192xf32, #tpu.memory_space<vmem>>) target_semaphore(%run_scoped3A : memref<!tpu.dma_semaphore, #tpu.memory_space<semaphore_mem>>)
        %dma_wait3A = tpu.memref_slice %arg2[%add3A_118] : memref<4194304xf32, #tpu.memory_space<hbm>> -> memref<8192xf32, #tpu.memory_space<hbm>>
        %dma_wait3A_126 = tpu.memref_slice %arg2[%add3A_118] : memref<4194304xf32, #tpu.memory_space<hbm>> -> memref<8192xf32, #tpu.memory_space<hbm>>
        tpu.wait_dma2 semaphore(%run_scoped3A : memref<!tpu.dma_semaphore, #tpu.memory_space<semaphore_mem>>) src(%dma_wait3A_126 : memref<8192xf32, #tpu.memory_space<hbm>>) dst(%arg4 : memref<8192xf32, #tpu.memory_space<vmem>>)
        tpu.yield
      }) : () -> ()
      %scan3A_119 = arith.constant 0 : i32
      %scan3A_120 = arith.constant 0 : i32
      %scan3A_121 = arith.constant 512 : i32
      %scan3A_122 = arith.addi %scan3A_120, %scan3A_121 : i32
      %scan3A_123 = arith.constant 1 : i32
      scf.for %scan3A_125 = %scan3A_120 to %scan3A_122 step %scan3A_123  : i32 {
        %mul3A_126 = arith.constant 16 : i32
        %mul3A_127 = arith.muli %scan3A_125, %mul3A_126 : i32
        %get3A = arith.index_cast %mul3A_127 : i32 to index
        %get3A_128 = tpu.vector_load %arg4[%get3A] {strides = array<i32>} : memref<8192xf32, #tpu.memory_space<vmem>>, vector<16xf32>,
        %bitcast3A_129 = vector.bitcast %get3A_128 : vector<16xf32> to vector<16xi32>
        %shift_right_logical3A = arith.constant 10 : i32
        %shift_right_logical3A_130 = vector.broadcast %shift_right_logical3A : i32 to vector<16xi32>
        %shift_right_logical3A_131 = arith.shrui %bitcast3A_129, %shift_right_logical3A_130 : vector<16xi32>
        %broadcast_in_dim3A_132 = arith.constant 1023 : i32
        %broadcast_in_dim3A_133 = vector.broadcast %broadcast_in_dim3A_132 : i32 to vector<16xi32>
        %and3A = arith.andi %shift_right_logical3A_131, %broadcast_in_dim3A_133 : vector<16xi32>
        %shift_right_logical3A_134 = arith.constant 20 : i32
        %shift_right_logical3A_135 = vector.broadcast %shift_right_logical3A_134 : i32 to vector<16xi32>
        %shift_right_logical3A_136 = arith.shrui %bitcast3A_129, %shift_right_logical3A_135 : vector<16xi32>
        %eq3A_137 = arith.cmpi eq, %shift_right_logical3A_136, %broadcast_in_dim3A_43 : vector<16xi32>
        %mul3A_138 = arith.constant 1024 : i32
        %mul3A_139 = vector.broadcast %mul3A_138 : i32 to vector<16xi32>
        %mul3A_140 = arith.muli %iota3A, %mul3A_139 : vector<16xi32>
        %add3A_141 = arith.addi %mul3A_140, %and3A : vector<16xi32>
        tpu.vector_store_idx %arg5[%add3A_141], %broadcast_in_dim3A_2 masked %eq3A_137 {add = true} : memref<16384xi32, #tpu.memory_space<vmem>>[vector<16xi32>], vector<16xi32>, vector<16xi1>
      }
      %scan3A_124 = arith.constant 512 : i32
    }
    %scan3A_49 = arith.constant 32 : i32
    %scan3A_50 = arith.constant 0 : i32
    %scan3A_51 = arith.constant 0 : i32
    %scan3A_52 = arith.constant 64 : i32
    %scan3A_53 = arith.addi %scan3A_51, %scan3A_52 : i32
    %scan3A_54 = arith.constant 1 : i32
    scf.for %scan3A_113 = %scan3A_51 to %scan3A_53 step %scan3A_54  : i32 {
      %scan3A_114 = arith.constant 0 : i32
      %scan3A_115 = arith.constant 16 : i32
      %scan3A_116 = arith.addi %scan3A_114, %scan3A_115 : i32
      %scan3A_117 = arith.constant 1 : i32
      %scan3A_118 = scf.for %scan3A_124 = %scan3A_114 to %scan3A_116 step %scan3A_117 iter_args(%scan3A_125 = %broadcast_in_dim3A_0) -> (vector<16xi32>)  : i32 {
        %mul3A_126 = arith.constant 1024 : i32
        %mul3A_127 = arith.muli %scan3A_124, %mul3A_126 : i32
        %mul3A_128 = arith.constant 16 : i32
        %mul3A_129 = arith.muli %scan3A_113, %mul3A_128 : i32
        %add3A_130 = arith.addi %mul3A_127, %mul3A_129 : i32
        %get3A = arith.index_cast %add3A_130 : i32 to index
        %get3A_131 = tpu.vector_load %arg5[%get3A] {strides = array<i32>} : memref<16384xi32, #tpu.memory_space<vmem>>, vector<16xi32>,
        %add3A_132 = arith.addi %scan3A_125, %get3A_131 : vector<16xi32>
        scf.yield %add3A_132 : vector<16xi32>
      }
      %scan3A_119 = arith.constant 16 : i32
      %mul3A_120 = arith.constant 16 : i32
      %mul3A_121 = arith.muli %scan3A_113, %mul3A_120 : i32
      %swap3A_122 = arith.index_cast %mul3A_121 : i32 to index
      %swap3A_123 = tpu.vector_load %arg6[%swap3A_122] {strides = array<i32>} : memref<1024xi32, #tpu.memory_space<vmem>>, vector<16xi32>,
      tpu.vector_store %arg6[%swap3A_122], %scan3A_118 {strides = array<i32>} : memref<1024xi32, #tpu.memory_space<vmem>>, vector<16xi32>,
    }
    %scan3A_55 = arith.constant 64 : i32
    "tpu.region"() ({
      %run_scoped3A = tpu.sem_alloc : memref<!tpu.dma_semaphore, #tpu.memory_space<semaphore_mem>>
      %dma_start3A = arith.constant 0 : i32
      %dma_start3A_113 = tpu.memref_slice %arg9[%arg1, %dma_start3A] : memref<16x1024xi32, #tpu.memory_space<vmem_shared>> -> memref<1x1024xi32, #tpu.memory_space<vmem_shared>>
      %dma_start3A_114 = tpu.memref_squeeze %dma_start3A_113 : memref<1x1024xi32, #tpu.memory_space<vmem_shared>> -> memref<1024xi32, #tpu.memory_space<vmem_shared>>
      %dma_start3A_115 = arith.constant 0 : i32
      %dma_start3A_116 = tpu.memref_slice %arg9[%arg1, %dma_start3A_115] : memref<16x1024xi32, #tpu.memory_space<vmem_shared>> -> memref<1x1024xi32, #tpu.memory_space<vmem_shared>>
      %dma_start3A_117 = tpu.memref_squeeze %dma_start3A_116 : memref<1x1024xi32, #tpu.memory_space<vmem_shared>> -> memref<1024xi32, #tpu.memory_space<vmem_shared>>
      tpu.enqueue_dma source(%arg6 : memref<1024xi32, #tpu.memory_space<vmem>>) target(%dma_start3A_117 : memref<1024xi32, #tpu.memory_space<vmem_shared>>) target_semaphore(%run_scoped3A : memref<!tpu.dma_semaphore, #tpu.memory_space<semaphore_mem>>)
      %dma_wait3A = arith.constant 0 : i32
      %dma_wait3A_118 = tpu.memref_slice %arg9[%arg1, %dma_wait3A] : memref<16x1024xi32, #tpu.memory_space<vmem_shared>> -> memref<1x1024xi32, #tpu.memory_space<vmem_shared>>
      %dma_wait3A_119 = tpu.memref_squeeze %dma_wait3A_118 : memref<1x1024xi32, #tpu.memory_space<vmem_shared>> -> memref<1024xi32, #tpu.memory_space<vmem_shared>>
      %dma_wait3A_120 = arith.constant 0 : i32
      %dma_wait3A_121 = tpu.memref_slice %arg9[%arg1, %dma_wait3A_120] : memref<16x1024xi32, #tpu.memory_space<vmem_shared>> -> memref<1x1024xi32, #tpu.memory_space<vmem_shared>>
      %dma_wait3A_122 = tpu.memref_squeeze %dma_wait3A_121 : memref<1x1024xi32, #tpu.memory_space<vmem_shared>> -> memref<1024xi32, #tpu.memory_space<vmem_shared>>
      tpu.wait_dma2 semaphore(%run_scoped3A : memref<!tpu.dma_semaphore, #tpu.memory_space<semaphore_mem>>) src(%arg6 : memref<1024xi32, #tpu.memory_space<vmem>>) dst(%dma_wait3A_122 : memref<1024xi32, #tpu.memory_space<vmem_shared>>)
      tpu.yield
    }) : () -> ()
    %barrier3A_56 = arith.constant 0 : index
    tpu.barrier barrier_id(%barrier3A_56)
    "tpu.region"() ({
      %run_scoped3A = tpu.sem_alloc : memref<!tpu.dma_semaphore, #tpu.memory_space<semaphore_mem>>
      tpu.enqueue_dma source(%arg9 : memref<16x1024xi32, #tpu.memory_space<vmem_shared>>) target(%arg7 : memref<16x1024xi32, #tpu.memory_space<vmem>>) target_semaphore(%run_scoped3A : memref<!tpu.dma_semaphore, #tpu.memory_space<semaphore_mem>>)
      tpu.wait_dma2 semaphore(%run_scoped3A : memref<!tpu.dma_semaphore, #tpu.memory_space<semaphore_mem>>) src(%arg9 : memref<16x1024xi32, #tpu.memory_space<vmem_shared>>) dst(%arg7 : memref<16x1024xi32, #tpu.memory_space<vmem>>)
      tpu.yield
    }) : () -> ()
    %barrier3A_57 = arith.constant 0 : index
    tpu.barrier barrier_id(%barrier3A_57)
    %scan3A_58 = arith.constant 0 : i32
    %scan3A_59 = arith.constant 0 : i32
    %scan3A_60 = arith.constant 0 : i32
    %scan3A_61 = arith.constant 0 : i32
    %scan3A_62 = arith.constant 0 : i32
    %scan3A_63 = arith.constant 64 : i32
    %scan3A_64 = arith.addi %scan3A_62, %scan3A_63 : i32
    %scan3A_65 = arith.constant 1 : i32
    %scan3A_66:4 = scf.for %scan3A_113 = %scan3A_62 to %scan3A_64 step %scan3A_65 iter_args(%scan3A_114 = %scan3A_58, %scan3A_115 = %scan3A_59, %scan3A_116 = %scan3A_60, %scan3A_117 = %scan3A_61) -> (i32, i32, i32, i32)  : i32 {
      %scan3A_118 = arith.constant 0 : i32
      %scan3A_119 = arith.constant 16 : i32
      %scan3A_120 = arith.addi %scan3A_118, %scan3A_119 : i32
      %scan3A_121 = arith.constant 1 : i32
      %scan3A_122 = scf.for %scan3A_167 = %scan3A_118 to %scan3A_120 step %scan3A_121 iter_args(%scan3A_168 = %broadcast_in_dim3A_0) -> (vector<16xi32>)  : i32 {
        %mul3A_169 = arith.constant 16 : i32
        %mul3A_170 = arith.muli %scan3A_113, %mul3A_169 : i32
        %get3A = arith.index_cast %scan3A_167 : i32 to index
        %get3A_171 = arith.index_cast %mul3A_170 : i32 to index
        %get3A_172 = tpu.vector_load %arg7[%get3A, %get3A_171] {strides = array<i32>} : memref<16x1024xi32, #tpu.memory_space<vmem>>, vector<16xi32>,
        %add3A_173 = arith.addi %scan3A_168, %get3A_172 : vector<16xi32>
        scf.yield %add3A_173 : vector<16xi32>
      }
      %scan3A_123 = arith.constant 16 : i32
      %reduce_sum3A = arith.constant true
      %reduce_sum3A_124 = vector.broadcast %reduce_sum3A : i1 to vector<16xi1>
      %reduce_sum3A_125 = tpu.scan <sum>, %scan3A_122 masked %reduce_sum3A_124 : vector<16xi32>, vector<16xi1> -> vector<16xi32>
      %reduce_sum3A_126 = vector.extract %reduce_sum3A_125[15] : i32 from vector<16xi32>
      %broadcast_in_dim3A_127 = arith.constant true
      %broadcast_in_dim3A_128 = vector.broadcast %broadcast_in_dim3A_127 : i1 to vector<16xi1>
      %masked_cumsum3A = tpu.scan <sum>, %scan3A_122 masked %broadcast_in_dim3A_128 : vector<16xi32>, vector<16xi1> -> vector<16xi32>
      %broadcast_in_dim3A_129 = vector.broadcast %sub3A_36 : i32 to vector<16xi32>
      %broadcast_in_dim3A_130 = vector.broadcast %scan3A_114 : i32 to vector<16xi32>
      %add3A_131 = arith.addi %masked_cumsum3A, %broadcast_in_dim3A_130 : vector<16xi32>
      %ge3A = arith.cmpi sge, %add3A_131, %broadcast_in_dim3A_129 : vector<16xi32>
      %all_reduce_ffs3A = tpu.all_reduce %ge3A {dim = 0 : i64, kind = #tpu.reduction_kind<find_first_set>} : vector<16xi1> -> vector<16xi32>
      %reduce_max3A = arith.constant true
      %reduce_max3A_132 = vector.broadcast %reduce_max3A : i1 to vector<16xi1>
      %reduce_max3A_133 = arith.constant -2147483648 : i32
      %reduce_max3A_134 = vector.broadcast %reduce_max3A_133 : i32 to vector<16xi32>
      %reduce_max3A_135 = arith.xori %all_reduce_ffs3A, %reduce_max3A_134 : vector<16xi32>
      %reduce_max3A_136 = tpu.scan <max>, %reduce_max3A_135 masked %reduce_max3A_132 : vector<16xi32>, vector<16xi1> -> vector<16xi32>
      %reduce_max3A_137 = arith.xori %reduce_max3A_136, %reduce_max3A_134 : vector<16xi32>
      %reduce_max3A_138 = vector.extract %reduce_max3A_137[15] : i32 from vector<16xi32>
      %broadcast_in_dim3A_139 = vector.broadcast %reduce_max3A_138 : i32 to vector<16xi32>
      %eq3A_140 = arith.cmpi eq, %iota3A, %broadcast_in_dim3A_139 : vector<16xi32>
      %jit3A = arith.constant 0 : i32
      %broadcast_in_dim3A_141 = vector.broadcast %jit3A : i32 to vector<16xi32>
      %select_n3A = arith.select %eq3A_140, %masked_cumsum3A, %broadcast_in_dim3A_141 : vector<16xi1>, vector<16xi32>
      %reduce_sum3A_142 = arith.constant true
      %reduce_sum3A_143 = vector.broadcast %reduce_sum3A_142 : i1 to vector<16xi1>
      %reduce_sum3A_144 = tpu.scan <sum>, %select_n3A masked %reduce_sum3A_143 : vector<16xi32>, vector<16xi1> -> vector<16xi32>
      %reduce_sum3A_145 = vector.extract %reduce_sum3A_144[15] : i32 from vector<16xi32>
      %jit3A_146 = arith.constant 0 : i32
      %broadcast_in_dim3A_147 = vector.broadcast %jit3A_146 : i32 to vector<16xi32>
      %select_n3A_148 = arith.select %eq3A_140, %scan3A_122, %broadcast_in_dim3A_147 : vector<16xi1>, vector<16xi32>
      %reduce_sum3A_149 = arith.constant true
      %reduce_sum3A_150 = vector.broadcast %reduce_sum3A_149 : i1 to vector<16xi1>
      %reduce_sum3A_151 = tpu.scan <sum>, %select_n3A_148 masked %reduce_sum3A_150 : vector<16xi32>, vector<16xi1> -> vector<16xi32>
      %reduce_sum3A_152 = vector.extract %reduce_sum3A_151[15] : i32 from vector<16xi32>
      %eq3A_153 = arith.constant 0 : i32
      %eq3A_154 = arith.cmpi eq, %scan3A_115, %eq3A_153 : i32
      %add3A_155 = arith.addi %scan3A_114, %reduce_sum3A_126 : i32
      %ge3A_156 = arith.cmpi sge, %add3A_155, %sub3A_36 : i32
      %and3A = arith.andi %eq3A_154, %ge3A_156 : i1
      %mul3A_157 = arith.constant 16 : i32
      %mul3A_158 = arith.muli %scan3A_113, %mul3A_157 : i32
      %add3A_159 = arith.addi %mul3A_158, %reduce_max3A_138 : i32
      %select_n3A_160 = arith.select %and3A, %add3A_159, %scan3A_116 : i32
      %add3A_161 = arith.addi %scan3A_114, %reduce_sum3A_145 : i32
      %sub3A_162 = arith.subi %add3A_161, %reduce_sum3A_152 : i32
      %select_n3A_163 = arith.select %and3A, %sub3A_162, %scan3A_117 : i32
      %jit3A_164 = arith.constant 1 : i32
      %select_n3A_165 = arith.select %and3A, %jit3A_164, %scan3A_115 : i32
      %add3A_166 = arith.addi %scan3A_114, %reduce_sum3A_126 : i32
      scf.yield %add3A_166, %select_n3A_165, %select_n3A_160, %select_n3A_163 : i32, i32, i32, i32
    }
    %scan3A_67 = arith.constant 64 : i32
    %mul3A_68 = arith.constant 1024 : i32
    %mul3A_69 = arith.muli %add3A, %mul3A_68 : i32
    %add3A_70 = arith.addi %mul3A_69, %scan3A_66#2 : i32
    %sub3A_71 = arith.subi %sub3A_36, %scan3A_66#3 : i32
    %scan3A_72 = arith.constant 0 : i32
    %scan3A_73 = arith.constant 0 : i32
    %scan3A_74 = arith.constant 1024 : i32
    %scan3A_75 = arith.addi %scan3A_73, %scan3A_74 : i32
    %scan3A_76 = arith.constant 1 : i32
    scf.for %scan3A_113 = %scan3A_73 to %scan3A_75 step %scan3A_76  : i32 {
      %mul3A_114 = arith.constant 16 : i32
      %mul3A_115 = arith.muli %scan3A_113, %mul3A_114 : i32
      %swap3A_116 = arith.index_cast %mul3A_115 : i32 to index
      %swap3A_117 = tpu.vector_load %arg5[%swap3A_116] {strides = array<i32>} : memref<16384xi32, #tpu.memory_space<vmem>>, vector<16xi32>,
      tpu.vector_store %arg5[%swap3A_116], %broadcast_in_dim3A_0 {strides = array<i32>} : memref<16384xi32, #tpu.memory_space<vmem>>, vector<16xi32>,
    }
    %scan3A_77 = arith.constant 1024 : i32
    %broadcast_in_dim3A_78 = vector.broadcast %add3A_70 : i32 to vector<16xi32>
    %scan3A_79 = arith.constant 0 : i32
    %scan3A_80 = arith.constant 0 : i32
    %scan3A_81 = arith.constant 32 : i32
    %scan3A_82 = arith.addi %scan3A_80, %scan3A_81 : i32
    %scan3A_83 = arith.constant 1 : i32
    scf.for %scan3A_113 = %scan3A_80 to %scan3A_82 step %scan3A_83  : i32 {
      %mul3A_114 = arith.constant 262144 : i32
      %mul3A_115 = arith.muli %arg1, %mul3A_114 : i32
      %mul3A_116 = arith.constant 8192 : i32
      %mul3A_117 = arith.muli %scan3A_113, %mul3A_116 : i32
      %add3A_118 = arith.addi %mul3A_115, %mul3A_117 : i32
      "tpu.region"() ({
        %run_scoped3A = tpu.sem_alloc : memref<!tpu.dma_semaphore, #tpu.memory_space<semaphore_mem>>
        %dma_start3A = tpu.memref_slice %arg2[%add3A_118] : memref<4194304xf32, #tpu.memory_space<hbm>> -> memref<8192xf32, #tpu.memory_space<hbm>>
        %dma_start3A_125 = tpu.memref_slice %arg2[%add3A_118] : memref<4194304xf32, #tpu.memory_space<hbm>> -> memref<8192xf32, #tpu.memory_space<hbm>>
        tpu.enqueue_dma source(%dma_start3A_125 : memref<8192xf32, #tpu.memory_space<hbm>>) target(%arg4 : memref<8192xf32, #tpu.memory_space<vmem>>) target_semaphore(%run_scoped3A : memref<!tpu.dma_semaphore, #tpu.memory_space<semaphore_mem>>)
        %dma_wait3A = tpu.memref_slice %arg2[%add3A_118] : memref<4194304xf32, #tpu.memory_space<hbm>> -> memref<8192xf32, #tpu.memory_space<hbm>>
        %dma_wait3A_126 = tpu.memref_slice %arg2[%add3A_118] : memref<4194304xf32, #tpu.memory_space<hbm>> -> memref<8192xf32, #tpu.memory_space<hbm>>
        tpu.wait_dma2 semaphore(%run_scoped3A : memref<!tpu.dma_semaphore, #tpu.memory_space<semaphore_mem>>) src(%dma_wait3A_126 : memref<8192xf32, #tpu.memory_space<hbm>>) dst(%arg4 : memref<8192xf32, #tpu.memory_space<vmem>>)
        tpu.yield
      }) : () -> ()
      %scan3A_119 = arith.constant 0 : i32
      %scan3A_120 = arith.constant 0 : i32
      %scan3A_121 = arith.constant 512 : i32
      %scan3A_122 = arith.addi %scan3A_120, %scan3A_121 : i32
      %scan3A_123 = arith.constant 1 : i32
      scf.for %scan3A_125 = %scan3A_120 to %scan3A_122 step %scan3A_123  : i32 {
        %mul3A_126 = arith.constant 16 : i32
        %mul3A_127 = arith.muli %scan3A_125, %mul3A_126 : i32
        %get3A = arith.index_cast %mul3A_127 : i32 to index
        %get3A_128 = tpu.vector_load %arg4[%get3A] {strides = array<i32>} : memref<8192xf32, #tpu.memory_space<vmem>>, vector<16xf32>,
        %bitcast3A_129 = vector.bitcast %get3A_128 : vector<16xf32> to vector<16xi32>
        %shift_right_logical3A = arith.constant 0 : i32
        %shift_right_logical3A_130 = vector.broadcast %shift_right_logical3A : i32 to vector<16xi32>
        %shift_right_logical3A_131 = arith.shrui %bitcast3A_129, %shift_right_logical3A_130 : vector<16xi32>
        %broadcast_in_dim3A_132 = arith.constant 1023 : i32
        %broadcast_in_dim3A_133 = vector.broadcast %broadcast_in_dim3A_132 : i32 to vector<16xi32>
        %and3A = arith.andi %shift_right_logical3A_131, %broadcast_in_dim3A_133 : vector<16xi32>
        %shift_right_logical3A_134 = arith.constant 10 : i32
        %shift_right_logical3A_135 = vector.broadcast %shift_right_logical3A_134 : i32 to vector<16xi32>
        %shift_right_logical3A_136 = arith.shrui %bitcast3A_129, %shift_right_logical3A_135 : vector<16xi32>
        %eq3A_137 = arith.cmpi eq, %shift_right_logical3A_136, %broadcast_in_dim3A_78 : vector<16xi32>
        %mul3A_138 = arith.constant 1024 : i32
        %mul3A_139 = vector.broadcast %mul3A_138 : i32 to vector<16xi32>
        %mul3A_140 = arith.muli %iota3A, %mul3A_139 : vector<16xi32>
        %add3A_141 = arith.addi %mul3A_140, %and3A : vector<16xi32>
        tpu.vector_store_idx %arg5[%add3A_141], %broadcast_in_dim3A_2 masked %eq3A_137 {add = true} : memref<16384xi32, #tpu.memory_space<vmem>>[vector<16xi32>], vector<16xi32>, vector<16xi1>
      }
      %scan3A_124 = arith.constant 512 : i32
    }
    %scan3A_84 = arith.constant 32 : i32
    %scan3A_85 = arith.constant 0 : i32
    %scan3A_86 = arith.constant 0 : i32
    %scan3A_87 = arith.constant 64 : i32
    %scan3A_88 = arith.addi %scan3A_86, %scan3A_87 : i32
    %scan3A_89 = arith.constant 1 : i32
    scf.for %scan3A_113 = %scan3A_86 to %scan3A_88 step %scan3A_89  : i32 {
      %scan3A_114 = arith.constant 0 : i32
      %scan3A_115 = arith.constant 16 : i32
      %scan3A_116 = arith.addi %scan3A_114, %scan3A_115 : i32
      %scan3A_117 = arith.constant 1 : i32
      %scan3A_118 = scf.for %scan3A_124 = %scan3A_114 to %scan3A_116 step %scan3A_117 iter_args(%scan3A_125 = %broadcast_in_dim3A_0) -> (vector<16xi32>)  : i32 {
        %mul3A_126 = arith.constant 1024 : i32
        %mul3A_127 = arith.muli %scan3A_124, %mul3A_126 : i32
        %mul3A_128 = arith.constant 16 : i32
        %mul3A_129 = arith.muli %scan3A_113, %mul3A_128 : i32
        %add3A_130 = arith.addi %mul3A_127, %mul3A_129 : i32
        %get3A = arith.index_cast %add3A_130 : i32 to index
        %get3A_131 = tpu.vector_load %arg5[%get3A] {strides = array<i32>} : memref<16384xi32, #tpu.memory_space<vmem>>, vector<16xi32>,
        %add3A_132 = arith.addi %scan3A_125, %get3A_131 : vector<16xi32>
        scf.yield %add3A_132 : vector<16xi32>
      }
      %scan3A_119 = arith.constant 16 : i32
      %mul3A_120 = arith.constant 16 : i32
      %mul3A_121 = arith.muli %scan3A_113, %mul3A_120 : i32
      %swap3A_122 = arith.index_cast %mul3A_121 : i32 to index
      %swap3A_123 = tpu.vector_load %arg6[%swap3A_122] {strides = array<i32>} : memref<1024xi32, #tpu.memory_space<vmem>>, vector<16xi32>,
      tpu.vector_store %arg6[%swap3A_122], %scan3A_118 {strides = array<i32>} : memref<1024xi32, #tpu.memory_space<vmem>>, vector<16xi32>,
    }
    %scan3A_90 = arith.constant 64 : i32
    "tpu.region"() ({
      %run_scoped3A = tpu.sem_alloc : memref<!tpu.dma_semaphore, #tpu.memory_space<semaphore_mem>>
      %dma_start3A = arith.constant 0 : i32
      %dma_start3A_113 = tpu.memref_slice %arg9[%arg1, %dma_start3A] : memref<16x1024xi32, #tpu.memory_space<vmem_shared>> -> memref<1x1024xi32, #tpu.memory_space<vmem_shared>>
      %dma_start3A_114 = tpu.memref_squeeze %dma_start3A_113 : memref<1x1024xi32, #tpu.memory_space<vmem_shared>> -> memref<1024xi32, #tpu.memory_space<vmem_shared>>
      %dma_start3A_115 = arith.constant 0 : i32
      %dma_start3A_116 = tpu.memref_slice %arg9[%arg1, %dma_start3A_115] : memref<16x1024xi32, #tpu.memory_space<vmem_shared>> -> memref<1x1024xi32, #tpu.memory_space<vmem_shared>>
      %dma_start3A_117 = tpu.memref_squeeze %dma_start3A_116 : memref<1x1024xi32, #tpu.memory_space<vmem_shared>> -> memref<1024xi32, #tpu.memory_space<vmem_shared>>
      tpu.enqueue_dma source(%arg6 : memref<1024xi32, #tpu.memory_space<vmem>>) target(%dma_start3A_117 : memref<1024xi32, #tpu.memory_space<vmem_shared>>) target_semaphore(%run_scoped3A : memref<!tpu.dma_semaphore, #tpu.memory_space<semaphore_mem>>)
      %dma_wait3A = arith.constant 0 : i32
      %dma_wait3A_118 = tpu.memref_slice %arg9[%arg1, %dma_wait3A] : memref<16x1024xi32, #tpu.memory_space<vmem_shared>> -> memref<1x1024xi32, #tpu.memory_space<vmem_shared>>
      %dma_wait3A_119 = tpu.memref_squeeze %dma_wait3A_118 : memref<1x1024xi32, #tpu.memory_space<vmem_shared>> -> memref<1024xi32, #tpu.memory_space<vmem_shared>>
      %dma_wait3A_120 = arith.constant 0 : i32
      %dma_wait3A_121 = tpu.memref_slice %arg9[%arg1, %dma_wait3A_120] : memref<16x1024xi32, #tpu.memory_space<vmem_shared>> -> memref<1x1024xi32, #tpu.memory_space<vmem_shared>>
      %dma_wait3A_122 = tpu.memref_squeeze %dma_wait3A_121 : memref<1x1024xi32, #tpu.memory_space<vmem_shared>> -> memref<1024xi32, #tpu.memory_space<vmem_shared>>
      tpu.wait_dma2 semaphore(%run_scoped3A : memref<!tpu.dma_semaphore, #tpu.memory_space<semaphore_mem>>) src(%arg6 : memref<1024xi32, #tpu.memory_space<vmem>>) dst(%dma_wait3A_122 : memref<1024xi32, #tpu.memory_space<vmem_shared>>)
      tpu.yield
    }) : () -> ()
    %barrier3A_91 = arith.constant 0 : index
    tpu.barrier barrier_id(%barrier3A_91)
    "tpu.region"() ({
      %run_scoped3A = tpu.sem_alloc : memref<!tpu.dma_semaphore, #tpu.memory_space<semaphore_mem>>
      tpu.enqueue_dma source(%arg9 : memref<16x1024xi32, #tpu.memory_space<vmem_shared>>) target(%arg7 : memref<16x1024xi32, #tpu.memory_space<vmem>>) target_semaphore(%run_scoped3A : memref<!tpu.dma_semaphore, #tpu.memory_space<semaphore_mem>>)
      tpu.wait_dma2 semaphore(%run_scoped3A : memref<!tpu.dma_semaphore, #tpu.memory_space<semaphore_mem>>) src(%arg9 : memref<16x1024xi32, #tpu.memory_space<vmem_shared>>) dst(%arg7 : memref<16x1024xi32, #tpu.memory_space<vmem>>)
      tpu.yield
    }) : () -> ()
    %barrier3A_92 = arith.constant 0 : index
    tpu.barrier barrier_id(%barrier3A_92)
    %scan3A_93 = arith.constant 0 : i32
    %scan3A_94 = arith.constant 0 : i32
    %scan3A_95 = arith.constant 0 : i32
    %scan3A_96 = arith.constant 0 : i32
    %scan3A_97 = arith.constant 0 : i32
    %scan3A_98 = arith.constant 64 : i32
    %scan3A_99 = arith.addi %scan3A_97, %scan3A_98 : i32
    %scan3A_100 = arith.constant 1 : i32
    %scan3A_101:4 = scf.for %scan3A_113 = %scan3A_97 to %scan3A_99 step %scan3A_100 iter_args(%scan3A_114 = %scan3A_93, %scan3A_115 = %scan3A_94, %scan3A_116 = %scan3A_95, %scan3A_117 = %scan3A_96) -> (i32, i32, i32, i32)  : i32 {
      %scan3A_118 = arith.constant 0 : i32
      %scan3A_119 = arith.constant 16 : i32
      %scan3A_120 = arith.addi %scan3A_118, %scan3A_119 : i32
      %scan3A_121 = arith.constant 1 : i32
      %scan3A_122 = scf.for %scan3A_167 = %scan3A_118 to %scan3A_120 step %scan3A_121 iter_args(%scan3A_168 = %broadcast_in_dim3A_0) -> (vector<16xi32>)  : i32 {
        %mul3A_169 = arith.constant 16 : i32
        %mul3A_170 = arith.muli %scan3A_113, %mul3A_169 : i32
        %get3A = arith.index_cast %scan3A_167 : i32 to index
        %get3A_171 = arith.index_cast %mul3A_170 : i32 to index
        %get3A_172 = tpu.vector_load %arg7[%get3A, %get3A_171] {strides = array<i32>} : memref<16x1024xi32, #tpu.memory_space<vmem>>, vector<16xi32>,
        %add3A_173 = arith.addi %scan3A_168, %get3A_172 : vector<16xi32>
        scf.yield %add3A_173 : vector<16xi32>
      }
      %scan3A_123 = arith.constant 16 : i32
      %reduce_sum3A = arith.constant true
      %reduce_sum3A_124 = vector.broadcast %reduce_sum3A : i1 to vector<16xi1>
      %reduce_sum3A_125 = tpu.scan <sum>, %scan3A_122 masked %reduce_sum3A_124 : vector<16xi32>, vector<16xi1> -> vector<16xi32>
      %reduce_sum3A_126 = vector.extract %reduce_sum3A_125[15] : i32 from vector<16xi32>
      %broadcast_in_dim3A_127 = arith.constant true
      %broadcast_in_dim3A_128 = vector.broadcast %broadcast_in_dim3A_127 : i1 to vector<16xi1>
      %masked_cumsum3A = tpu.scan <sum>, %scan3A_122 masked %broadcast_in_dim3A_128 : vector<16xi32>, vector<16xi1> -> vector<16xi32>
      %broadcast_in_dim3A_129 = vector.broadcast %sub3A_71 : i32 to vector<16xi32>
      %broadcast_in_dim3A_130 = vector.broadcast %scan3A_114 : i32 to vector<16xi32>
      %add3A_131 = arith.addi %masked_cumsum3A, %broadcast_in_dim3A_130 : vector<16xi32>
      %ge3A = arith.cmpi sge, %add3A_131, %broadcast_in_dim3A_129 : vector<16xi32>
      %all_reduce_ffs3A = tpu.all_reduce %ge3A {dim = 0 : i64, kind = #tpu.reduction_kind<find_first_set>} : vector<16xi1> -> vector<16xi32>
      %reduce_max3A = arith.constant true
      %reduce_max3A_132 = vector.broadcast %reduce_max3A : i1 to vector<16xi1>
      %reduce_max3A_133 = arith.constant -2147483648 : i32
      %reduce_max3A_134 = vector.broadcast %reduce_max3A_133 : i32 to vector<16xi32>
      %reduce_max3A_135 = arith.xori %all_reduce_ffs3A, %reduce_max3A_134 : vector<16xi32>
      %reduce_max3A_136 = tpu.scan <max>, %reduce_max3A_135 masked %reduce_max3A_132 : vector<16xi32>, vector<16xi1> -> vector<16xi32>
      %reduce_max3A_137 = arith.xori %reduce_max3A_136, %reduce_max3A_134 : vector<16xi32>
      %reduce_max3A_138 = vector.extract %reduce_max3A_137[15] : i32 from vector<16xi32>
      %broadcast_in_dim3A_139 = vector.broadcast %reduce_max3A_138 : i32 to vector<16xi32>
      %eq3A_140 = arith.cmpi eq, %iota3A, %broadcast_in_dim3A_139 : vector<16xi32>
      %jit3A = arith.constant 0 : i32
      %broadcast_in_dim3A_141 = vector.broadcast %jit3A : i32 to vector<16xi32>
      %select_n3A = arith.select %eq3A_140, %masked_cumsum3A, %broadcast_in_dim3A_141 : vector<16xi1>, vector<16xi32>
      %reduce_sum3A_142 = arith.constant true
      %reduce_sum3A_143 = vector.broadcast %reduce_sum3A_142 : i1 to vector<16xi1>
      %reduce_sum3A_144 = tpu.scan <sum>, %select_n3A masked %reduce_sum3A_143 : vector<16xi32>, vector<16xi1> -> vector<16xi32>
      %reduce_sum3A_145 = vector.extract %reduce_sum3A_144[15] : i32 from vector<16xi32>
      %jit3A_146 = arith.constant 0 : i32
      %broadcast_in_dim3A_147 = vector.broadcast %jit3A_146 : i32 to vector<16xi32>
      %select_n3A_148 = arith.select %eq3A_140, %scan3A_122, %broadcast_in_dim3A_147 : vector<16xi1>, vector<16xi32>
      %reduce_sum3A_149 = arith.constant true
      %reduce_sum3A_150 = vector.broadcast %reduce_sum3A_149 : i1 to vector<16xi1>
      %reduce_sum3A_151 = tpu.scan <sum>, %select_n3A_148 masked %reduce_sum3A_150 : vector<16xi32>, vector<16xi1> -> vector<16xi32>
      %reduce_sum3A_152 = vector.extract %reduce_sum3A_151[15] : i32 from vector<16xi32>
      %eq3A_153 = arith.constant 0 : i32
      %eq3A_154 = arith.cmpi eq, %scan3A_115, %eq3A_153 : i32
      %add3A_155 = arith.addi %scan3A_114, %reduce_sum3A_126 : i32
      %ge3A_156 = arith.cmpi sge, %add3A_155, %sub3A_71 : i32
      %and3A = arith.andi %eq3A_154, %ge3A_156 : i1
      %mul3A_157 = arith.constant 16 : i32
      %mul3A_158 = arith.muli %scan3A_113, %mul3A_157 : i32
      %add3A_159 = arith.addi %mul3A_158, %reduce_max3A_138 : i32
      %select_n3A_160 = arith.select %and3A, %add3A_159, %scan3A_116 : i32
      %add3A_161 = arith.addi %scan3A_114, %reduce_sum3A_145 : i32
      %sub3A_162 = arith.subi %add3A_161, %reduce_sum3A_152 : i32
      %select_n3A_163 = arith.select %and3A, %sub3A_162, %scan3A_117 : i32
      %jit3A_164 = arith.constant 1 : i32
      %select_n3A_165 = arith.select %and3A, %jit3A_164, %scan3A_115 : i32
      %add3A_166 = arith.addi %scan3A_114, %reduce_sum3A_126 : i32
      scf.yield %add3A_166, %select_n3A_165, %select_n3A_160, %select_n3A_163 : i32, i32, i32, i32
    }
    %scan3A_102 = arith.constant 64 : i32
    %mul3A_103 = arith.constant 1024 : i32
    %mul3A_104 = arith.muli %add3A_70, %mul3A_103 : i32
    %add3A_105 = arith.addi %mul3A_104, %scan3A_101#2 : i32
    %sub3A_106 = arith.subi %sub3A_71, %scan3A_101#3 : i32
    %broadcast_in_dim3A_107 = vector.broadcast %add3A_105 : i32 to vector<16xi32>
    %bitcast3A = vector.bitcast %broadcast_in_dim3A_107 : vector<16xi32> to vector<16xf32>
    %broadcast_in_dim3A_108 = arith.constant 0.699999988 : f32
    %broadcast_in_dim3A_109 = vector.broadcast %broadcast_in_dim3A_108 : f32 to vector<16xf32>
    %max3A = arith.maximumf %bitcast3A, %broadcast_in_dim3A_109 : vector<16xf32>
    %swap3A = arith.constant 0 : index
    %swap3A_110 = tpu.vector_load %arg8[%swap3A] {strides = array<i32>} : memref<16xf32, #tpu.memory_space<vmem>>, vector<16xf32>,
    tpu.vector_store %arg8[%swap3A], %max3A {strides = array<i32>} : memref<16xf32, #tpu.memory_space<vmem>>, vector<16xf32>,
    %eq3A = arith.constant 0 : i32
    %eq3A_111 = arith.cmpi eq, %arg1, %eq3A : i32
    %convert_element_type3A = arith.extui %eq3A_111 : i1 to i32
    %cond3A = arith.constant 0 : i32
    %cond3A_112 = arith.cmpi ne, %convert_element_type3A, %cond3A : i32
    scf.if %cond3A_112 {
      "tpu.region"() ({
        %run_scoped3A = tpu.sem_alloc : memref<!tpu.dma_semaphore, #tpu.memory_space<semaphore_mem>>
        tpu.enqueue_dma source(%arg8 : memref<16xf32, #tpu.memory_space<vmem>>) target(%arg3 : memref<16xf32, #tpu.memory_space<hbm>>) target_semaphore(%run_scoped3A : memref<!tpu.dma_semaphore, #tpu.memory_space<semaphore_mem>>)
        tpu.wait_dma2 semaphore(%run_scoped3A : memref<!tpu.dma_semaphore, #tpu.memory_space<semaphore_mem>>) src(%arg8 : memref<16xf32, #tpu.memory_space<vmem>>) dst(%arg3 : memref<16xf32, #tpu.memory_space<hbm>>)
        tpu.yield
      }) : () -> ()
    } else {
    }
    return
  }
}

module attributes {stable_mosaic.version = 14 : i64} {
  func.func @_picks_body(%arg0: i32, %arg1: i32, %arg2: memref<1x19x256x512xf32, #tpu.memory_space<vmem>>, %arg3: memref<1x256x512xi32, #tpu.memory_space<vmem>>, %arg4: memref<1x256x512xf32, #tpu.memory_space<vmem>>) attributes {dimension_semantics = [#tpu.dimension_semantics<arbitrary>, #tpu.dimension_semantics<arbitrary>], iteration_bounds = array<i64: 16, 2>, scalar_prefetch = 0 : i64, scratch_operands = 0 : i64, tpu.core_type = #tpu.core_type<tc>, window_params = [{transform_indices = @transform_0, window_bounds = array<i64: 1, 19, 256, 512>}, {transform_indices = @transform_1, window_bounds = array<i64: 1, 256, 512>}, {transform_indices = @transform_2, window_bounds = array<i64: 1, 256, 512>}]} {
    %get3A = arith.constant 0 : index
    %get3A_0 = arith.constant 0 : index
    %get3A_1 = arith.constant 0 : index
    %get3A_2 = vector.load %arg3[%get3A, %get3A_0, %get3A_1] : memref<1x256x512xi32, #tpu.memory_space<vmem>>, vector<1x256x512xi32>
    %get3A_3 = vector.shape_cast %get3A_2 : vector<1x256x512xi32> to vector<256x512xi32>
    %get3A_4 = arith.constant 0 : index
    %get3A_5 = arith.constant 0 : index
    %get3A_6 = arith.constant 0 : index
    %get3A_7 = arith.constant 0 : index
    %get3A_8 = vector.load %arg2[%get3A_4, %get3A_5, %get3A_6, %get3A_7] : memref<1x19x256x512xf32, #tpu.memory_space<vmem>>, vector<1x1x256x512xf32>
    %get3A_9 = vector.shape_cast %get3A_8 : vector<1x1x256x512xf32> to vector<256x512xf32>
    %exp3A = math.exp %get3A_9 : vector<256x512xf32>
    %eq3A = arith.constant 0 : i32
    %eq3A_10 = vector.broadcast %eq3A : i32 to vector<256x512xi32>
    %eq3A_11 = arith.cmpi eq, %get3A_3, %eq3A_10 : vector<256x512xi32>
    %jit3A = arith.constant 0.000000e+00 : f32
    %broadcast_in_dim3A = vector.broadcast %jit3A : f32 to vector<256x512xf32>
    %select_n3A = arith.select %eq3A_11, %get3A_9, %broadcast_in_dim3A : vector<256x512xi1>, vector<256x512xf32>
    %get3A_12 = arith.constant 0 : index
    %get3A_13 = arith.constant 1 : index
    %get3A_14 = arith.constant 0 : index
    %get3A_15 = arith.constant 0 : index
    %get3A_16 = vector.load %arg2[%get3A_12, %get3A_13, %get3A_14, %get3A_15] : memref<1x19x256x512xf32, #tpu.memory_space<vmem>>, vector<1x1x256x512xf32>
    %get3A_17 = vector.shape_cast %get3A_16 : vector<1x1x256x512xf32> to vector<256x512xf32>
    %exp3A_18 = math.exp %get3A_17 : vector<256x512xf32>
    %add3A = arith.addf %exp3A, %exp3A_18 : vector<256x512xf32>
    %eq3A_19 = arith.constant 1 : i32
    %eq3A_20 = vector.broadcast %eq3A_19 : i32 to vector<256x512xi32>
    %eq3A_21 = arith.cmpi eq, %get3A_3, %eq3A_20 : vector<256x512xi32>
    %jit3A_22 = arith.constant 0.000000e+00 : f32
    %broadcast_in_dim3A_23 = vector.broadcast %jit3A_22 : f32 to vector<256x512xf32>
    %select_n3A_24 = arith.select %eq3A_21, %get3A_17, %broadcast_in_dim3A_23 : vector<256x512xi1>, vector<256x512xf32>
    %add3A_25 = arith.addf %select_n3A, %select_n3A_24 : vector<256x512xf32>
    %get3A_26 = arith.constant 0 : index
    %get3A_27 = arith.constant 2 : index
    %get3A_28 = arith.constant 0 : index
    %get3A_29 = arith.constant 0 : index
    %get3A_30 = vector.load %arg2[%get3A_26, %get3A_27, %get3A_28, %get3A_29] : memref<1x19x256x512xf32, #tpu.memory_space<vmem>>, vector<1x1x256x512xf32>
    %get3A_31 = vector.shape_cast %get3A_30 : vector<1x1x256x512xf32> to vector<256x512xf32>
    %exp3A_32 = math.exp %get3A_31 : vector<256x512xf32>
    %add3A_33 = arith.addf %add3A, %exp3A_32 : vector<256x512xf32>
    %eq3A_34 = arith.constant 2 : i32
    %eq3A_35 = vector.broadcast %eq3A_34 : i32 to vector<256x512xi32>
    %eq3A_36 = arith.cmpi eq, %get3A_3, %eq3A_35 : vector<256x512xi32>
    %jit3A_37 = arith.constant 0.000000e+00 : f32
    %broadcast_in_dim3A_38 = vector.broadcast %jit3A_37 : f32 to vector<256x512xf32>
    %select_n3A_39 = arith.select %eq3A_36, %get3A_31, %broadcast_in_dim3A_38 : vector<256x512xi1>, vector<256x512xf32>
    %add3A_40 = arith.addf %add3A_25, %select_n3A_39 : vector<256x512xf32>
    %get3A_41 = arith.constant 0 : index
    %get3A_42 = arith.constant 3 : index
    %get3A_43 = arith.constant 0 : index
    %get3A_44 = arith.constant 0 : index
    %get3A_45 = vector.load %arg2[%get3A_41, %get3A_42, %get3A_43, %get3A_44] : memref<1x19x256x512xf32, #tpu.memory_space<vmem>>, vector<1x1x256x512xf32>
    %get3A_46 = vector.shape_cast %get3A_45 : vector<1x1x256x512xf32> to vector<256x512xf32>
    %exp3A_47 = math.exp %get3A_46 : vector<256x512xf32>
    %add3A_48 = arith.addf %add3A_33, %exp3A_47 : vector<256x512xf32>
    %eq3A_49 = arith.constant 3 : i32
    %eq3A_50 = vector.broadcast %eq3A_49 : i32 to vector<256x512xi32>
    %eq3A_51 = arith.cmpi eq, %get3A_3, %eq3A_50 : vector<256x512xi32>
    %jit3A_52 = arith.constant 0.000000e+00 : f32
    %broadcast_in_dim3A_53 = vector.broadcast %jit3A_52 : f32 to vector<256x512xf32>
    %select_n3A_54 = arith.select %eq3A_51, %get3A_46, %broadcast_in_dim3A_53 : vector<256x512xi1>, vector<256x512xf32>
    %add3A_55 = arith.addf %add3A_40, %select_n3A_54 : vector<256x512xf32>
    %get3A_56 = arith.constant 0 : index
    %get3A_57 = arith.constant 4 : index
    %get3A_58 = arith.constant 0 : index
    %get3A_59 = arith.constant 0 : index
    %get3A_60 = vector.load %arg2[%get3A_56, %get3A_57, %get3A_58, %get3A_59] : memref<1x19x256x512xf32, #tpu.memory_space<vmem>>, vector<1x1x256x512xf32>
    %get3A_61 = vector.shape_cast %get3A_60 : vector<1x1x256x512xf32> to vector<256x512xf32>
    %exp3A_62 = math.exp %get3A_61 : vector<256x512xf32>
    %add3A_63 = arith.addf %add3A_48, %exp3A_62 : vector<256x512xf32>
    %eq3A_64 = arith.constant 4 : i32
    %eq3A_65 = vector.broadcast %eq3A_64 : i32 to vector<256x512xi32>
    %eq3A_66 = arith.cmpi eq, %get3A_3, %eq3A_65 : vector<256x512xi32>
    %jit3A_67 = arith.constant 0.000000e+00 : f32
    %broadcast_in_dim3A_68 = vector.broadcast %jit3A_67 : f32 to vector<256x512xf32>
    %select_n3A_69 = arith.select %eq3A_66, %get3A_61, %broadcast_in_dim3A_68 : vector<256x512xi1>, vector<256x512xf32>
    %add3A_70 = arith.addf %add3A_55, %select_n3A_69 : vector<256x512xf32>
    %get3A_71 = arith.constant 0 : index
    %get3A_72 = arith.constant 5 : index
    %get3A_73 = arith.constant 0 : index
    %get3A_74 = arith.constant 0 : index
    %get3A_75 = vector.load %arg2[%get3A_71, %get3A_72, %get3A_73, %get3A_74] : memref<1x19x256x512xf32, #tpu.memory_space<vmem>>, vector<1x1x256x512xf32>
    %get3A_76 = vector.shape_cast %get3A_75 : vector<1x1x256x512xf32> to vector<256x512xf32>
    %exp3A_77 = math.exp %get3A_76 : vector<256x512xf32>
    %add3A_78 = arith.addf %add3A_63, %exp3A_77 : vector<256x512xf32>
    %eq3A_79 = arith.constant 5 : i32
    %eq3A_80 = vector.broadcast %eq3A_79 : i32 to vector<256x512xi32>
    %eq3A_81 = arith.cmpi eq, %get3A_3, %eq3A_80 : vector<256x512xi32>
    %jit3A_82 = arith.constant 0.000000e+00 : f32
    %broadcast_in_dim3A_83 = vector.broadcast %jit3A_82 : f32 to vector<256x512xf32>
    %select_n3A_84 = arith.select %eq3A_81, %get3A_76, %broadcast_in_dim3A_83 : vector<256x512xi1>, vector<256x512xf32>
    %add3A_85 = arith.addf %add3A_70, %select_n3A_84 : vector<256x512xf32>
    %get3A_86 = arith.constant 0 : index
    %get3A_87 = arith.constant 6 : index
    %get3A_88 = arith.constant 0 : index
    %get3A_89 = arith.constant 0 : index
    %get3A_90 = vector.load %arg2[%get3A_86, %get3A_87, %get3A_88, %get3A_89] : memref<1x19x256x512xf32, #tpu.memory_space<vmem>>, vector<1x1x256x512xf32>
    %get3A_91 = vector.shape_cast %get3A_90 : vector<1x1x256x512xf32> to vector<256x512xf32>
    %exp3A_92 = math.exp %get3A_91 : vector<256x512xf32>
    %add3A_93 = arith.addf %add3A_78, %exp3A_92 : vector<256x512xf32>
    %eq3A_94 = arith.constant 6 : i32
    %eq3A_95 = vector.broadcast %eq3A_94 : i32 to vector<256x512xi32>
    %eq3A_96 = arith.cmpi eq, %get3A_3, %eq3A_95 : vector<256x512xi32>
    %jit3A_97 = arith.constant 0.000000e+00 : f32
    %broadcast_in_dim3A_98 = vector.broadcast %jit3A_97 : f32 to vector<256x512xf32>
    %select_n3A_99 = arith.select %eq3A_96, %get3A_91, %broadcast_in_dim3A_98 : vector<256x512xi1>, vector<256x512xf32>
    %add3A_100 = arith.addf %add3A_85, %select_n3A_99 : vector<256x512xf32>
    %get3A_101 = arith.constant 0 : index
    %get3A_102 = arith.constant 7 : index
    %get3A_103 = arith.constant 0 : index
    %get3A_104 = arith.constant 0 : index
    %get3A_105 = vector.load %arg2[%get3A_101, %get3A_102, %get3A_103, %get3A_104] : memref<1x19x256x512xf32, #tpu.memory_space<vmem>>, vector<1x1x256x512xf32>
    %get3A_106 = vector.shape_cast %get3A_105 : vector<1x1x256x512xf32> to vector<256x512xf32>
    %exp3A_107 = math.exp %get3A_106 : vector<256x512xf32>
    %add3A_108 = arith.addf %add3A_93, %exp3A_107 : vector<256x512xf32>
    %eq3A_109 = arith.constant 7 : i32
    %eq3A_110 = vector.broadcast %eq3A_109 : i32 to vector<256x512xi32>
    %eq3A_111 = arith.cmpi eq, %get3A_3, %eq3A_110 : vector<256x512xi32>
    %jit3A_112 = arith.constant 0.000000e+00 : f32
    %broadcast_in_dim3A_113 = vector.broadcast %jit3A_112 : f32 to vector<256x512xf32>
    %select_n3A_114 = arith.select %eq3A_111, %get3A_106, %broadcast_in_dim3A_113 : vector<256x512xi1>, vector<256x512xf32>
    %add3A_115 = arith.addf %add3A_100, %select_n3A_114 : vector<256x512xf32>
    %get3A_116 = arith.constant 0 : index
    %get3A_117 = arith.constant 8 : index
    %get3A_118 = arith.constant 0 : index
    %get3A_119 = arith.constant 0 : index
    %get3A_120 = vector.load %arg2[%get3A_116, %get3A_117, %get3A_118, %get3A_119] : memref<1x19x256x512xf32, #tpu.memory_space<vmem>>, vector<1x1x256x512xf32>
    %get3A_121 = vector.shape_cast %get3A_120 : vector<1x1x256x512xf32> to vector<256x512xf32>
    %exp3A_122 = math.exp %get3A_121 : vector<256x512xf32>
    %add3A_123 = arith.addf %add3A_108, %exp3A_122 : vector<256x512xf32>
    %eq3A_124 = arith.constant 8 : i32
    %eq3A_125 = vector.broadcast %eq3A_124 : i32 to vector<256x512xi32>
    %eq3A_126 = arith.cmpi eq, %get3A_3, %eq3A_125 : vector<256x512xi32>
    %jit3A_127 = arith.constant 0.000000e+00 : f32
    %broadcast_in_dim3A_128 = vector.broadcast %jit3A_127 : f32 to vector<256x512xf32>
    %select_n3A_129 = arith.select %eq3A_126, %get3A_121, %broadcast_in_dim3A_128 : vector<256x512xi1>, vector<256x512xf32>
    %add3A_130 = arith.addf %add3A_115, %select_n3A_129 : vector<256x512xf32>
    %get3A_131 = arith.constant 0 : index
    %get3A_132 = arith.constant 9 : index
    %get3A_133 = arith.constant 0 : index
    %get3A_134 = arith.constant 0 : index
    %get3A_135 = vector.load %arg2[%get3A_131, %get3A_132, %get3A_133, %get3A_134] : memref<1x19x256x512xf32, #tpu.memory_space<vmem>>, vector<1x1x256x512xf32>
    %get3A_136 = vector.shape_cast %get3A_135 : vector<1x1x256x512xf32> to vector<256x512xf32>
    %exp3A_137 = math.exp %get3A_136 : vector<256x512xf32>
    %add3A_138 = arith.addf %add3A_123, %exp3A_137 : vector<256x512xf32>
    %eq3A_139 = arith.constant 9 : i32
    %eq3A_140 = vector.broadcast %eq3A_139 : i32 to vector<256x512xi32>
    %eq3A_141 = arith.cmpi eq, %get3A_3, %eq3A_140 : vector<256x512xi32>
    %jit3A_142 = arith.constant 0.000000e+00 : f32
    %broadcast_in_dim3A_143 = vector.broadcast %jit3A_142 : f32 to vector<256x512xf32>
    %select_n3A_144 = arith.select %eq3A_141, %get3A_136, %broadcast_in_dim3A_143 : vector<256x512xi1>, vector<256x512xf32>
    %add3A_145 = arith.addf %add3A_130, %select_n3A_144 : vector<256x512xf32>
    %get3A_146 = arith.constant 0 : index
    %get3A_147 = arith.constant 10 : index
    %get3A_148 = arith.constant 0 : index
    %get3A_149 = arith.constant 0 : index
    %get3A_150 = vector.load %arg2[%get3A_146, %get3A_147, %get3A_148, %get3A_149] : memref<1x19x256x512xf32, #tpu.memory_space<vmem>>, vector<1x1x256x512xf32>
    %get3A_151 = vector.shape_cast %get3A_150 : vector<1x1x256x512xf32> to vector<256x512xf32>
    %exp3A_152 = math.exp %get3A_151 : vector<256x512xf32>
    %add3A_153 = arith.addf %add3A_138, %exp3A_152 : vector<256x512xf32>
    %eq3A_154 = arith.constant 10 : i32
    %eq3A_155 = vector.broadcast %eq3A_154 : i32 to vector<256x512xi32>
    %eq3A_156 = arith.cmpi eq, %get3A_3, %eq3A_155 : vector<256x512xi32>
    %jit3A_157 = arith.constant 0.000000e+00 : f32
    %broadcast_in_dim3A_158 = vector.broadcast %jit3A_157 : f32 to vector<256x512xf32>
    %select_n3A_159 = arith.select %eq3A_156, %get3A_151, %broadcast_in_dim3A_158 : vector<256x512xi1>, vector<256x512xf32>
    %add3A_160 = arith.addf %add3A_145, %select_n3A_159 : vector<256x512xf32>
    %get3A_161 = arith.constant 0 : index
    %get3A_162 = arith.constant 11 : index
    %get3A_163 = arith.constant 0 : index
    %get3A_164 = arith.constant 0 : index
    %get3A_165 = vector.load %arg2[%get3A_161, %get3A_162, %get3A_163, %get3A_164] : memref<1x19x256x512xf32, #tpu.memory_space<vmem>>, vector<1x1x256x512xf32>
    %get3A_166 = vector.shape_cast %get3A_165 : vector<1x1x256x512xf32> to vector<256x512xf32>
    %exp3A_167 = math.exp %get3A_166 : vector<256x512xf32>
    %add3A_168 = arith.addf %add3A_153, %exp3A_167 : vector<256x512xf32>
    %eq3A_169 = arith.constant 11 : i32
    %eq3A_170 = vector.broadcast %eq3A_169 : i32 to vector<256x512xi32>
    %eq3A_171 = arith.cmpi eq, %get3A_3, %eq3A_170 : vector<256x512xi32>
    %jit3A_172 = arith.constant 0.000000e+00 : f32
    %broadcast_in_dim3A_173 = vector.broadcast %jit3A_172 : f32 to vector<256x512xf32>
    %select_n3A_174 = arith.select %eq3A_171, %get3A_166, %broadcast_in_dim3A_173 : vector<256x512xi1>, vector<256x512xf32>
    %add3A_175 = arith.addf %add3A_160, %select_n3A_174 : vector<256x512xf32>
    %get3A_176 = arith.constant 0 : index
    %get3A_177 = arith.constant 12 : index
    %get3A_178 = arith.constant 0 : index
    %get3A_179 = arith.constant 0 : index
    %get3A_180 = vector.load %arg2[%get3A_176, %get3A_177, %get3A_178, %get3A_179] : memref<1x19x256x512xf32, #tpu.memory_space<vmem>>, vector<1x1x256x512xf32>
    %get3A_181 = vector.shape_cast %get3A_180 : vector<1x1x256x512xf32> to vector<256x512xf32>
    %exp3A_182 = math.exp %get3A_181 : vector<256x512xf32>
    %add3A_183 = arith.addf %add3A_168, %exp3A_182 : vector<256x512xf32>
    %eq3A_184 = arith.constant 12 : i32
    %eq3A_185 = vector.broadcast %eq3A_184 : i32 to vector<256x512xi32>
    %eq3A_186 = arith.cmpi eq, %get3A_3, %eq3A_185 : vector<256x512xi32>
    %jit3A_187 = arith.constant 0.000000e+00 : f32
    %broadcast_in_dim3A_188 = vector.broadcast %jit3A_187 : f32 to vector<256x512xf32>
    %select_n3A_189 = arith.select %eq3A_186, %get3A_181, %broadcast_in_dim3A_188 : vector<256x512xi1>, vector<256x512xf32>
    %add3A_190 = arith.addf %add3A_175, %select_n3A_189 : vector<256x512xf32>
    %get3A_191 = arith.constant 0 : index
    %get3A_192 = arith.constant 13 : index
    %get3A_193 = arith.constant 0 : index
    %get3A_194 = arith.constant 0 : index
    %get3A_195 = vector.load %arg2[%get3A_191, %get3A_192, %get3A_193, %get3A_194] : memref<1x19x256x512xf32, #tpu.memory_space<vmem>>, vector<1x1x256x512xf32>
    %get3A_196 = vector.shape_cast %get3A_195 : vector<1x1x256x512xf32> to vector<256x512xf32>
    %exp3A_197 = math.exp %get3A_196 : vector<256x512xf32>
    %add3A_198 = arith.addf %add3A_183, %exp3A_197 : vector<256x512xf32>
    %eq3A_199 = arith.constant 13 : i32
    %eq3A_200 = vector.broadcast %eq3A_199 : i32 to vector<256x512xi32>
    %eq3A_201 = arith.cmpi eq, %get3A_3, %eq3A_200 : vector<256x512xi32>
    %jit3A_202 = arith.constant 0.000000e+00 : f32
    %broadcast_in_dim3A_203 = vector.broadcast %jit3A_202 : f32 to vector<256x512xf32>
    %select_n3A_204 = arith.select %eq3A_201, %get3A_196, %broadcast_in_dim3A_203 : vector<256x512xi1>, vector<256x512xf32>
    %add3A_205 = arith.addf %add3A_190, %select_n3A_204 : vector<256x512xf32>
    %get3A_206 = arith.constant 0 : index
    %get3A_207 = arith.constant 14 : index
    %get3A_208 = arith.constant 0 : index
    %get3A_209 = arith.constant 0 : index
    %get3A_210 = vector.load %arg2[%get3A_206, %get3A_207, %get3A_208, %get3A_209] : memref<1x19x256x512xf32, #tpu.memory_space<vmem>>, vector<1x1x256x512xf32>
    %get3A_211 = vector.shape_cast %get3A_210 : vector<1x1x256x512xf32> to vector<256x512xf32>
    %exp3A_212 = math.exp %get3A_211 : vector<256x512xf32>
    %add3A_213 = arith.addf %add3A_198, %exp3A_212 : vector<256x512xf32>
    %eq3A_214 = arith.constant 14 : i32
    %eq3A_215 = vector.broadcast %eq3A_214 : i32 to vector<256x512xi32>
    %eq3A_216 = arith.cmpi eq, %get3A_3, %eq3A_215 : vector<256x512xi32>
    %jit3A_217 = arith.constant 0.000000e+00 : f32
    %broadcast_in_dim3A_218 = vector.broadcast %jit3A_217 : f32 to vector<256x512xf32>
    %select_n3A_219 = arith.select %eq3A_216, %get3A_211, %broadcast_in_dim3A_218 : vector<256x512xi1>, vector<256x512xf32>
    %add3A_220 = arith.addf %add3A_205, %select_n3A_219 : vector<256x512xf32>
    %get3A_221 = arith.constant 0 : index
    %get3A_222 = arith.constant 15 : index
    %get3A_223 = arith.constant 0 : index
    %get3A_224 = arith.constant 0 : index
    %get3A_225 = vector.load %arg2[%get3A_221, %get3A_222, %get3A_223, %get3A_224] : memref<1x19x256x512xf32, #tpu.memory_space<vmem>>, vector<1x1x256x512xf32>
    %get3A_226 = vector.shape_cast %get3A_225 : vector<1x1x256x512xf32> to vector<256x512xf32>
    %exp3A_227 = math.exp %get3A_226 : vector<256x512xf32>
    %add3A_228 = arith.addf %add3A_213, %exp3A_227 : vector<256x512xf32>
    %eq3A_229 = arith.constant 15 : i32
    %eq3A_230 = vector.broadcast %eq3A_229 : i32 to vector<256x512xi32>
    %eq3A_231 = arith.cmpi eq, %get3A_3, %eq3A_230 : vector<256x512xi32>
    %jit3A_232 = arith.constant 0.000000e+00 : f32
    %broadcast_in_dim3A_233 = vector.broadcast %jit3A_232 : f32 to vector<256x512xf32>
    %select_n3A_234 = arith.select %eq3A_231, %get3A_226, %broadcast_in_dim3A_233 : vector<256x512xi1>, vector<256x512xf32>
    %add3A_235 = arith.addf %add3A_220, %select_n3A_234 : vector<256x512xf32>
    %get3A_236 = arith.constant 0 : index
    %get3A_237 = arith.constant 16 : index
    %get3A_238 = arith.constant 0 : index
    %get3A_239 = arith.constant 0 : index
    %get3A_240 = vector.load %arg2[%get3A_236, %get3A_237, %get3A_238, %get3A_239] : memref<1x19x256x512xf32, #tpu.memory_space<vmem>>, vector<1x1x256x512xf32>
    %get3A_241 = vector.shape_cast %get3A_240 : vector<1x1x256x512xf32> to vector<256x512xf32>
    %exp3A_242 = math.exp %get3A_241 : vector<256x512xf32>
    %add3A_243 = arith.addf %add3A_228, %exp3A_242 : vector<256x512xf32>
    %eq3A_244 = arith.constant 16 : i32
    %eq3A_245 = vector.broadcast %eq3A_244 : i32 to vector<256x512xi32>
    %eq3A_246 = arith.cmpi eq, %get3A_3, %eq3A_245 : vector<256x512xi32>
    %jit3A_247 = arith.constant 0.000000e+00 : f32
    %broadcast_in_dim3A_248 = vector.broadcast %jit3A_247 : f32 to vector<256x512xf32>
    %select_n3A_249 = arith.select %eq3A_246, %get3A_241, %broadcast_in_dim3A_248 : vector<256x512xi1>, vector<256x512xf32>
    %add3A_250 = arith.addf %add3A_235, %select_n3A_249 : vector<256x512xf32>
    %get3A_251 = arith.constant 0 : index
    %get3A_252 = arith.constant 17 : index
    %get3A_253 = arith.constant 0 : index
    %get3A_254 = arith.constant 0 : index
    %get3A_255 = vector.load %arg2[%get3A_251, %get3A_252, %get3A_253, %get3A_254] : memref<1x19x256x512xf32, #tpu.memory_space<vmem>>, vector<1x1x256x512xf32>
    %get3A_256 = vector.shape_cast %get3A_255 : vector<1x1x256x512xf32> to vector<256x512xf32>
    %exp3A_257 = math.exp %get3A_256 : vector<256x512xf32>
    %add3A_258 = arith.addf %add3A_243, %exp3A_257 : vector<256x512xf32>
    %eq3A_259 = arith.constant 17 : i32
    %eq3A_260 = vector.broadcast %eq3A_259 : i32 to vector<256x512xi32>
    %eq3A_261 = arith.cmpi eq, %get3A_3, %eq3A_260 : vector<256x512xi32>
    %jit3A_262 = arith.constant 0.000000e+00 : f32
    %broadcast_in_dim3A_263 = vector.broadcast %jit3A_262 : f32 to vector<256x512xf32>
    %select_n3A_264 = arith.select %eq3A_261, %get3A_256, %broadcast_in_dim3A_263 : vector<256x512xi1>, vector<256x512xf32>
    %add3A_265 = arith.addf %add3A_250, %select_n3A_264 : vector<256x512xf32>
    %get3A_266 = arith.constant 0 : index
    %get3A_267 = arith.constant 18 : index
    %get3A_268 = arith.constant 0 : index
    %get3A_269 = arith.constant 0 : index
    %get3A_270 = vector.load %arg2[%get3A_266, %get3A_267, %get3A_268, %get3A_269] : memref<1x19x256x512xf32, #tpu.memory_space<vmem>>, vector<1x1x256x512xf32>
    %get3A_271 = vector.shape_cast %get3A_270 : vector<1x1x256x512xf32> to vector<256x512xf32>
    %exp3A_272 = math.exp %get3A_271 : vector<256x512xf32>
    %add3A_273 = arith.addf %add3A_258, %exp3A_272 : vector<256x512xf32>
    %eq3A_274 = arith.constant 18 : i32
    %eq3A_275 = vector.broadcast %eq3A_274 : i32 to vector<256x512xi32>
    %eq3A_276 = arith.cmpi eq, %get3A_3, %eq3A_275 : vector<256x512xi32>
    %jit3A_277 = arith.constant 0.000000e+00 : f32
    %broadcast_in_dim3A_278 = vector.broadcast %jit3A_277 : f32 to vector<256x512xf32>
    %select_n3A_279 = arith.select %eq3A_276, %get3A_271, %broadcast_in_dim3A_278 : vector<256x512xi1>, vector<256x512xf32>
    %add3A_280 = arith.addf %add3A_265, %select_n3A_279 : vector<256x512xf32>
    %exp3A_281 = math.exp %add3A_280 : vector<256x512xf32>
    %div3A = arith.divf %exp3A_281, %add3A_273 : vector<256x512xf32>
    %swap3A = arith.constant 0 : index
    %swap3A_282 = arith.constant 0 : index
    %swap3A_283 = arith.constant 0 : index
    %swap3A_284 = vector.load %arg4[%swap3A, %swap3A_282, %swap3A_283] : memref<1x256x512xf32, #tpu.memory_space<vmem>>, vector<1x256x512xf32>
    %swap3A_285 = vector.shape_cast %swap3A_284 : vector<1x256x512xf32> to vector<256x512xf32>
    %swap3A_286 = vector.shape_cast %div3A : vector<256x512xf32> to vector<1x256x512xf32>
    tpu.vector_store %arg4[%swap3A, %swap3A_282, %swap3A_283], %swap3A_286 {strides = array<i32>} : memref<1x256x512xf32, #tpu.memory_space<vmem>>, vector<1x256x512xf32>,
    return
  }
  func.func @transform_0(%arg0: i32, %arg1: i32) -> (i32, i32, i32, i32) {
    %c0_i32 = arith.constant 0 : i32
    %c0_i32_0 = arith.constant 0 : i32
    %c0_i32_1 = arith.constant 0 : i32
    return %arg0, %c0_i32, %arg1, %c0_i32_0 : i32, i32, i32, i32
  }
  func.func @transform_1(%arg0: i32, %arg1: i32) -> (i32, i32, i32) {
    %c0_i32 = arith.constant 0 : i32
    %c0_i32_0 = arith.constant 0 : i32
    return %arg0, %arg1, %c0_i32 : i32, i32, i32
  }
  func.func @transform_2(%arg0: i32, %arg1: i32) -> (i32, i32, i32) {
    %c0_i32 = arith.constant 0 : i32
    %c0_i32_0 = arith.constant 0 : i32
    return %arg0, %arg1, %c0_i32 : i32, i32, i32
  }
}

module attributes {stable_mosaic.version = 14 : i64} {
  func.func @_pass1_body(%arg0: i32, %arg1: i32, %arg2: memref<1x19x256x512xf32, #tpu.memory_space<vmem>>, %arg3: memref<1x256x512xi32, #tpu.memory_space<vmem>>, %arg4: memref<1x128xf32, #tpu.memory_space<vmem>>) attributes {dimension_semantics = [#tpu.dimension_semantics<arbitrary>, #tpu.dimension_semantics<arbitrary>], iteration_bounds = array<i64: 16, 2>, scalar_prefetch = 0 : i64, scratch_operands = 0 : i64, tpu.core_type = #tpu.core_type<tc>, window_params = [{transform_indices = @transform_0, window_bounds = array<i64: 1, 19, 256, 512>}, {transform_indices = @transform_1, window_bounds = array<i64: 1, 256, 512>}, {pipeline_mode = #tpu.pipeline_mode<synchronous>, transform_indices = @transform_2, window_bounds = array<i64: 1, 128>}]} {
    %get3A = arith.constant 0 : index
    %get3A_0 = arith.constant 0 : index
    %get3A_1 = arith.constant 0 : index
    %get3A_2 = vector.load %arg3[%get3A, %get3A_0, %get3A_1] : memref<1x256x512xi32, #tpu.memory_space<vmem>>, vector<1x256x512xi32>
    %get3A_3 = vector.shape_cast %get3A_2 : vector<1x256x512xi32> to vector<256x512xi32>
    %get3A_4 = arith.constant 0 : index
    %get3A_5 = arith.constant 0 : index
    %get3A_6 = arith.constant 0 : index
    %get3A_7 = arith.constant 0 : index
    %get3A_8 = vector.load %arg2[%get3A_4, %get3A_5, %get3A_6, %get3A_7] : memref<1x19x256x512xf32, #tpu.memory_space<vmem>>, vector<1x1x256x512xf32>
    %get3A_9 = vector.shape_cast %get3A_8 : vector<1x1x256x512xf32> to vector<256x512xf32>
    %exp3A = math.exp %get3A_9 : vector<256x512xf32>
    %eq3A = arith.constant 0 : i32
    %eq3A_10 = vector.broadcast %eq3A : i32 to vector<256x512xi32>
    %eq3A_11 = arith.cmpi eq, %get3A_3, %eq3A_10 : vector<256x512xi32>
    %jit3A = arith.constant 0.000000e+00 : f32
    %broadcast_in_dim3A = vector.broadcast %jit3A : f32 to vector<256x512xf32>
    %select_n3A = arith.select %eq3A_11, %get3A_9, %broadcast_in_dim3A : vector<256x512xi1>, vector<256x512xf32>
    %get3A_12 = arith.constant 0 : index
    %get3A_13 = arith.constant 1 : index
    %get3A_14 = arith.constant 0 : index
    %get3A_15 = arith.constant 0 : index
    %get3A_16 = vector.load %arg2[%get3A_12, %get3A_13, %get3A_14, %get3A_15] : memref<1x19x256x512xf32, #tpu.memory_space<vmem>>, vector<1x1x256x512xf32>
    %get3A_17 = vector.shape_cast %get3A_16 : vector<1x1x256x512xf32> to vector<256x512xf32>
    %exp3A_18 = math.exp %get3A_17 : vector<256x512xf32>
    %add3A = arith.addf %exp3A, %exp3A_18 : vector<256x512xf32>
    %eq3A_19 = arith.constant 1 : i32
    %eq3A_20 = vector.broadcast %eq3A_19 : i32 to vector<256x512xi32>
    %eq3A_21 = arith.cmpi eq, %get3A_3, %eq3A_20 : vector<256x512xi32>
    %jit3A_22 = arith.constant 0.000000e+00 : f32
    %broadcast_in_dim3A_23 = vector.broadcast %jit3A_22 : f32 to vector<256x512xf32>
    %select_n3A_24 = arith.select %eq3A_21, %get3A_17, %broadcast_in_dim3A_23 : vector<256x512xi1>, vector<256x512xf32>
    %add3A_25 = arith.addf %select_n3A, %select_n3A_24 : vector<256x512xf32>
    %get3A_26 = arith.constant 0 : index
    %get3A_27 = arith.constant 2 : index
    %get3A_28 = arith.constant 0 : index
    %get3A_29 = arith.constant 0 : index
    %get3A_30 = vector.load %arg2[%get3A_26, %get3A_27, %get3A_28, %get3A_29] : memref<1x19x256x512xf32, #tpu.memory_space<vmem>>, vector<1x1x256x512xf32>
    %get3A_31 = vector.shape_cast %get3A_30 : vector<1x1x256x512xf32> to vector<256x512xf32>
    %exp3A_32 = math.exp %get3A_31 : vector<256x512xf32>
    %add3A_33 = arith.addf %add3A, %exp3A_32 : vector<256x512xf32>
    %eq3A_34 = arith.constant 2 : i32
    %eq3A_35 = vector.broadcast %eq3A_34 : i32 to vector<256x512xi32>
    %eq3A_36 = arith.cmpi eq, %get3A_3, %eq3A_35 : vector<256x512xi32>
    %jit3A_37 = arith.constant 0.000000e+00 : f32
    %broadcast_in_dim3A_38 = vector.broadcast %jit3A_37 : f32 to vector<256x512xf32>
    %select_n3A_39 = arith.select %eq3A_36, %get3A_31, %broadcast_in_dim3A_38 : vector<256x512xi1>, vector<256x512xf32>
    %add3A_40 = arith.addf %add3A_25, %select_n3A_39 : vector<256x512xf32>
    %get3A_41 = arith.constant 0 : index
    %get3A_42 = arith.constant 3 : index
    %get3A_43 = arith.constant 0 : index
    %get3A_44 = arith.constant 0 : index
    %get3A_45 = vector.load %arg2[%get3A_41, %get3A_42, %get3A_43, %get3A_44] : memref<1x19x256x512xf32, #tpu.memory_space<vmem>>, vector<1x1x256x512xf32>
    %get3A_46 = vector.shape_cast %get3A_45 : vector<1x1x256x512xf32> to vector<256x512xf32>
    %exp3A_47 = math.exp %get3A_46 : vector<256x512xf32>
    %add3A_48 = arith.addf %add3A_33, %exp3A_47 : vector<256x512xf32>
    %eq3A_49 = arith.constant 3 : i32
    %eq3A_50 = vector.broadcast %eq3A_49 : i32 to vector<256x512xi32>
    %eq3A_51 = arith.cmpi eq, %get3A_3, %eq3A_50 : vector<256x512xi32>
    %jit3A_52 = arith.constant 0.000000e+00 : f32
    %broadcast_in_dim3A_53 = vector.broadcast %jit3A_52 : f32 to vector<256x512xf32>
    %select_n3A_54 = arith.select %eq3A_51, %get3A_46, %broadcast_in_dim3A_53 : vector<256x512xi1>, vector<256x512xf32>
    %add3A_55 = arith.addf %add3A_40, %select_n3A_54 : vector<256x512xf32>
    %get3A_56 = arith.constant 0 : index
    %get3A_57 = arith.constant 4 : index
    %get3A_58 = arith.constant 0 : index
    %get3A_59 = arith.constant 0 : index
    %get3A_60 = vector.load %arg2[%get3A_56, %get3A_57, %get3A_58, %get3A_59] : memref<1x19x256x512xf32, #tpu.memory_space<vmem>>, vector<1x1x256x512xf32>
    %get3A_61 = vector.shape_cast %get3A_60 : vector<1x1x256x512xf32> to vector<256x512xf32>
    %exp3A_62 = math.exp %get3A_61 : vector<256x512xf32>
    %add3A_63 = arith.addf %add3A_48, %exp3A_62 : vector<256x512xf32>
    %eq3A_64 = arith.constant 4 : i32
    %eq3A_65 = vector.broadcast %eq3A_64 : i32 to vector<256x512xi32>
    %eq3A_66 = arith.cmpi eq, %get3A_3, %eq3A_65 : vector<256x512xi32>
    %jit3A_67 = arith.constant 0.000000e+00 : f32
    %broadcast_in_dim3A_68 = vector.broadcast %jit3A_67 : f32 to vector<256x512xf32>
    %select_n3A_69 = arith.select %eq3A_66, %get3A_61, %broadcast_in_dim3A_68 : vector<256x512xi1>, vector<256x512xf32>
    %add3A_70 = arith.addf %add3A_55, %select_n3A_69 : vector<256x512xf32>
    %get3A_71 = arith.constant 0 : index
    %get3A_72 = arith.constant 5 : index
    %get3A_73 = arith.constant 0 : index
    %get3A_74 = arith.constant 0 : index
    %get3A_75 = vector.load %arg2[%get3A_71, %get3A_72, %get3A_73, %get3A_74] : memref<1x19x256x512xf32, #tpu.memory_space<vmem>>, vector<1x1x256x512xf32>
    %get3A_76 = vector.shape_cast %get3A_75 : vector<1x1x256x512xf32> to vector<256x512xf32>
    %exp3A_77 = math.exp %get3A_76 : vector<256x512xf32>
    %add3A_78 = arith.addf %add3A_63, %exp3A_77 : vector<256x512xf32>
    %eq3A_79 = arith.constant 5 : i32
    %eq3A_80 = vector.broadcast %eq3A_79 : i32 to vector<256x512xi32>
    %eq3A_81 = arith.cmpi eq, %get3A_3, %eq3A_80 : vector<256x512xi32>
    %jit3A_82 = arith.constant 0.000000e+00 : f32
    %broadcast_in_dim3A_83 = vector.broadcast %jit3A_82 : f32 to vector<256x512xf32>
    %select_n3A_84 = arith.select %eq3A_81, %get3A_76, %broadcast_in_dim3A_83 : vector<256x512xi1>, vector<256x512xf32>
    %add3A_85 = arith.addf %add3A_70, %select_n3A_84 : vector<256x512xf32>
    %get3A_86 = arith.constant 0 : index
    %get3A_87 = arith.constant 6 : index
    %get3A_88 = arith.constant 0 : index
    %get3A_89 = arith.constant 0 : index
    %get3A_90 = vector.load %arg2[%get3A_86, %get3A_87, %get3A_88, %get3A_89] : memref<1x19x256x512xf32, #tpu.memory_space<vmem>>, vector<1x1x256x512xf32>
    %get3A_91 = vector.shape_cast %get3A_90 : vector<1x1x256x512xf32> to vector<256x512xf32>
    %exp3A_92 = math.exp %get3A_91 : vector<256x512xf32>
    %add3A_93 = arith.addf %add3A_78, %exp3A_92 : vector<256x512xf32>
    %eq3A_94 = arith.constant 6 : i32
    %eq3A_95 = vector.broadcast %eq3A_94 : i32 to vector<256x512xi32>
    %eq3A_96 = arith.cmpi eq, %get3A_3, %eq3A_95 : vector<256x512xi32>
    %jit3A_97 = arith.constant 0.000000e+00 : f32
    %broadcast_in_dim3A_98 = vector.broadcast %jit3A_97 : f32 to vector<256x512xf32>
    %select_n3A_99 = arith.select %eq3A_96, %get3A_91, %broadcast_in_dim3A_98 : vector<256x512xi1>, vector<256x512xf32>
    %add3A_100 = arith.addf %add3A_85, %select_n3A_99 : vector<256x512xf32>
    %get3A_101 = arith.constant 0 : index
    %get3A_102 = arith.constant 7 : index
    %get3A_103 = arith.constant 0 : index
    %get3A_104 = arith.constant 0 : index
    %get3A_105 = vector.load %arg2[%get3A_101, %get3A_102, %get3A_103, %get3A_104] : memref<1x19x256x512xf32, #tpu.memory_space<vmem>>, vector<1x1x256x512xf32>
    %get3A_106 = vector.shape_cast %get3A_105 : vector<1x1x256x512xf32> to vector<256x512xf32>
    %exp3A_107 = math.exp %get3A_106 : vector<256x512xf32>
    %add3A_108 = arith.addf %add3A_93, %exp3A_107 : vector<256x512xf32>
    %eq3A_109 = arith.constant 7 : i32
    %eq3A_110 = vector.broadcast %eq3A_109 : i32 to vector<256x512xi32>
    %eq3A_111 = arith.cmpi eq, %get3A_3, %eq3A_110 : vector<256x512xi32>
    %jit3A_112 = arith.constant 0.000000e+00 : f32
    %broadcast_in_dim3A_113 = vector.broadcast %jit3A_112 : f32 to vector<256x512xf32>
    %select_n3A_114 = arith.select %eq3A_111, %get3A_106, %broadcast_in_dim3A_113 : vector<256x512xi1>, vector<256x512xf32>
    %add3A_115 = arith.addf %add3A_100, %select_n3A_114 : vector<256x512xf32>
    %get3A_116 = arith.constant 0 : index
    %get3A_117 = arith.constant 8 : index
    %get3A_118 = arith.constant 0 : index
    %get3A_119 = arith.constant 0 : index
    %get3A_120 = vector.load %arg2[%get3A_116, %get3A_117, %get3A_118, %get3A_119] : memref<1x19x256x512xf32, #tpu.memory_space<vmem>>, vector<1x1x256x512xf32>
    %get3A_121 = vector.shape_cast %get3A_120 : vector<1x1x256x512xf32> to vector<256x512xf32>
    %exp3A_122 = math.exp %get3A_121 : vector<256x512xf32>
    %add3A_123 = arith.addf %add3A_108, %exp3A_122 : vector<256x512xf32>
    %eq3A_124 = arith.constant 8 : i32
    %eq3A_125 = vector.broadcast %eq3A_124 : i32 to vector<256x512xi32>
    %eq3A_126 = arith.cmpi eq, %get3A_3, %eq3A_125 : vector<256x512xi32>
    %jit3A_127 = arith.constant 0.000000e+00 : f32
    %broadcast_in_dim3A_128 = vector.broadcast %jit3A_127 : f32 to vector<256x512xf32>
    %select_n3A_129 = arith.select %eq3A_126, %get3A_121, %broadcast_in_dim3A_128 : vector<256x512xi1>, vector<256x512xf32>
    %add3A_130 = arith.addf %add3A_115, %select_n3A_129 : vector<256x512xf32>
    %get3A_131 = arith.constant 0 : index
    %get3A_132 = arith.constant 9 : index
    %get3A_133 = arith.constant 0 : index
    %get3A_134 = arith.constant 0 : index
    %get3A_135 = vector.load %arg2[%get3A_131, %get3A_132, %get3A_133, %get3A_134] : memref<1x19x256x512xf32, #tpu.memory_space<vmem>>, vector<1x1x256x512xf32>
    %get3A_136 = vector.shape_cast %get3A_135 : vector<1x1x256x512xf32> to vector<256x512xf32>
    %exp3A_137 = math.exp %get3A_136 : vector<256x512xf32>
    %add3A_138 = arith.addf %add3A_123, %exp3A_137 : vector<256x512xf32>
    %eq3A_139 = arith.constant 9 : i32
    %eq3A_140 = vector.broadcast %eq3A_139 : i32 to vector<256x512xi32>
    %eq3A_141 = arith.cmpi eq, %get3A_3, %eq3A_140 : vector<256x512xi32>
    %jit3A_142 = arith.constant 0.000000e+00 : f32
    %broadcast_in_dim3A_143 = vector.broadcast %jit3A_142 : f32 to vector<256x512xf32>
    %select_n3A_144 = arith.select %eq3A_141, %get3A_136, %broadcast_in_dim3A_143 : vector<256x512xi1>, vector<256x512xf32>
    %add3A_145 = arith.addf %add3A_130, %select_n3A_144 : vector<256x512xf32>
    %get3A_146 = arith.constant 0 : index
    %get3A_147 = arith.constant 10 : index
    %get3A_148 = arith.constant 0 : index
    %get3A_149 = arith.constant 0 : index
    %get3A_150 = vector.load %arg2[%get3A_146, %get3A_147, %get3A_148, %get3A_149] : memref<1x19x256x512xf32, #tpu.memory_space<vmem>>, vector<1x1x256x512xf32>
    %get3A_151 = vector.shape_cast %get3A_150 : vector<1x1x256x512xf32> to vector<256x512xf32>
    %exp3A_152 = math.exp %get3A_151 : vector<256x512xf32>
    %add3A_153 = arith.addf %add3A_138, %exp3A_152 : vector<256x512xf32>
    %eq3A_154 = arith.constant 10 : i32
    %eq3A_155 = vector.broadcast %eq3A_154 : i32 to vector<256x512xi32>
    %eq3A_156 = arith.cmpi eq, %get3A_3, %eq3A_155 : vector<256x512xi32>
    %jit3A_157 = arith.constant 0.000000e+00 : f32
    %broadcast_in_dim3A_158 = vector.broadcast %jit3A_157 : f32 to vector<256x512xf32>
    %select_n3A_159 = arith.select %eq3A_156, %get3A_151, %broadcast_in_dim3A_158 : vector<256x512xi1>, vector<256x512xf32>
    %add3A_160 = arith.addf %add3A_145, %select_n3A_159 : vector<256x512xf32>
    %get3A_161 = arith.constant 0 : index
    %get3A_162 = arith.constant 11 : index
    %get3A_163 = arith.constant 0 : index
    %get3A_164 = arith.constant 0 : index
    %get3A_165 = vector.load %arg2[%get3A_161, %get3A_162, %get3A_163, %get3A_164] : memref<1x19x256x512xf32, #tpu.memory_space<vmem>>, vector<1x1x256x512xf32>
    %get3A_166 = vector.shape_cast %get3A_165 : vector<1x1x256x512xf32> to vector<256x512xf32>
    %exp3A_167 = math.exp %get3A_166 : vector<256x512xf32>
    %add3A_168 = arith.addf %add3A_153, %exp3A_167 : vector<256x512xf32>
    %eq3A_169 = arith.constant 11 : i32
    %eq3A_170 = vector.broadcast %eq3A_169 : i32 to vector<256x512xi32>
    %eq3A_171 = arith.cmpi eq, %get3A_3, %eq3A_170 : vector<256x512xi32>
    %jit3A_172 = arith.constant 0.000000e+00 : f32
    %broadcast_in_dim3A_173 = vector.broadcast %jit3A_172 : f32 to vector<256x512xf32>
    %select_n3A_174 = arith.select %eq3A_171, %get3A_166, %broadcast_in_dim3A_173 : vector<256x512xi1>, vector<256x512xf32>
    %add3A_175 = arith.addf %add3A_160, %select_n3A_174 : vector<256x512xf32>
    %get3A_176 = arith.constant 0 : index
    %get3A_177 = arith.constant 12 : index
    %get3A_178 = arith.constant 0 : index
    %get3A_179 = arith.constant 0 : index
    %get3A_180 = vector.load %arg2[%get3A_176, %get3A_177, %get3A_178, %get3A_179] : memref<1x19x256x512xf32, #tpu.memory_space<vmem>>, vector<1x1x256x512xf32>
    %get3A_181 = vector.shape_cast %get3A_180 : vector<1x1x256x512xf32> to vector<256x512xf32>
    %exp3A_182 = math.exp %get3A_181 : vector<256x512xf32>
    %add3A_183 = arith.addf %add3A_168, %exp3A_182 : vector<256x512xf32>
    %eq3A_184 = arith.constant 12 : i32
    %eq3A_185 = vector.broadcast %eq3A_184 : i32 to vector<256x512xi32>
    %eq3A_186 = arith.cmpi eq, %get3A_3, %eq3A_185 : vector<256x512xi32>
    %jit3A_187 = arith.constant 0.000000e+00 : f32
    %broadcast_in_dim3A_188 = vector.broadcast %jit3A_187 : f32 to vector<256x512xf32>
    %select_n3A_189 = arith.select %eq3A_186, %get3A_181, %broadcast_in_dim3A_188 : vector<256x512xi1>, vector<256x512xf32>
    %add3A_190 = arith.addf %add3A_175, %select_n3A_189 : vector<256x512xf32>
    %get3A_191 = arith.constant 0 : index
    %get3A_192 = arith.constant 13 : index
    %get3A_193 = arith.constant 0 : index
    %get3A_194 = arith.constant 0 : index
    %get3A_195 = vector.load %arg2[%get3A_191, %get3A_192, %get3A_193, %get3A_194] : memref<1x19x256x512xf32, #tpu.memory_space<vmem>>, vector<1x1x256x512xf32>
    %get3A_196 = vector.shape_cast %get3A_195 : vector<1x1x256x512xf32> to vector<256x512xf32>
    %exp3A_197 = math.exp %get3A_196 : vector<256x512xf32>
    %add3A_198 = arith.addf %add3A_183, %exp3A_197 : vector<256x512xf32>
    %eq3A_199 = arith.constant 13 : i32
    %eq3A_200 = vector.broadcast %eq3A_199 : i32 to vector<256x512xi32>
    %eq3A_201 = arith.cmpi eq, %get3A_3, %eq3A_200 : vector<256x512xi32>
    %jit3A_202 = arith.constant 0.000000e+00 : f32
    %broadcast_in_dim3A_203 = vector.broadcast %jit3A_202 : f32 to vector<256x512xf32>
    %select_n3A_204 = arith.select %eq3A_201, %get3A_196, %broadcast_in_dim3A_203 : vector<256x512xi1>, vector<256x512xf32>
    %add3A_205 = arith.addf %add3A_190, %select_n3A_204 : vector<256x512xf32>
    %get3A_206 = arith.constant 0 : index
    %get3A_207 = arith.constant 14 : index
    %get3A_208 = arith.constant 0 : index
    %get3A_209 = arith.constant 0 : index
    %get3A_210 = vector.load %arg2[%get3A_206, %get3A_207, %get3A_208, %get3A_209] : memref<1x19x256x512xf32, #tpu.memory_space<vmem>>, vector<1x1x256x512xf32>
    %get3A_211 = vector.shape_cast %get3A_210 : vector<1x1x256x512xf32> to vector<256x512xf32>
    %exp3A_212 = math.exp %get3A_211 : vector<256x512xf32>
    %add3A_213 = arith.addf %add3A_198, %exp3A_212 : vector<256x512xf32>
    %eq3A_214 = arith.constant 14 : i32
    %eq3A_215 = vector.broadcast %eq3A_214 : i32 to vector<256x512xi32>
    %eq3A_216 = arith.cmpi eq, %get3A_3, %eq3A_215 : vector<256x512xi32>
    %jit3A_217 = arith.constant 0.000000e+00 : f32
    %broadcast_in_dim3A_218 = vector.broadcast %jit3A_217 : f32 to vector<256x512xf32>
    %select_n3A_219 = arith.select %eq3A_216, %get3A_211, %broadcast_in_dim3A_218 : vector<256x512xi1>, vector<256x512xf32>
    %add3A_220 = arith.addf %add3A_205, %select_n3A_219 : vector<256x512xf32>
    %get3A_221 = arith.constant 0 : index
    %get3A_222 = arith.constant 15 : index
    %get3A_223 = arith.constant 0 : index
    %get3A_224 = arith.constant 0 : index
    %get3A_225 = vector.load %arg2[%get3A_221, %get3A_222, %get3A_223, %get3A_224] : memref<1x19x256x512xf32, #tpu.memory_space<vmem>>, vector<1x1x256x512xf32>
    %get3A_226 = vector.shape_cast %get3A_225 : vector<1x1x256x512xf32> to vector<256x512xf32>
    %exp3A_227 = math.exp %get3A_226 : vector<256x512xf32>
    %add3A_228 = arith.addf %add3A_213, %exp3A_227 : vector<256x512xf32>
    %eq3A_229 = arith.constant 15 : i32
    %eq3A_230 = vector.broadcast %eq3A_229 : i32 to vector<256x512xi32>
    %eq3A_231 = arith.cmpi eq, %get3A_3, %eq3A_230 : vector<256x512xi32>
    %jit3A_232 = arith.constant 0.000000e+00 : f32
    %broadcast_in_dim3A_233 = vector.broadcast %jit3A_232 : f32 to vector<256x512xf32>
    %select_n3A_234 = arith.select %eq3A_231, %get3A_226, %broadcast_in_dim3A_233 : vector<256x512xi1>, vector<256x512xf32>
    %add3A_235 = arith.addf %add3A_220, %select_n3A_234 : vector<256x512xf32>
    %get3A_236 = arith.constant 0 : index
    %get3A_237 = arith.constant 16 : index
    %get3A_238 = arith.constant 0 : index
    %get3A_239 = arith.constant 0 : index
    %get3A_240 = vector.load %arg2[%get3A_236, %get3A_237, %get3A_238, %get3A_239] : memref<1x19x256x512xf32, #tpu.memory_space<vmem>>, vector<1x1x256x512xf32>
    %get3A_241 = vector.shape_cast %get3A_240 : vector<1x1x256x512xf32> to vector<256x512xf32>
    %exp3A_242 = math.exp %get3A_241 : vector<256x512xf32>
    %add3A_243 = arith.addf %add3A_228, %exp3A_242 : vector<256x512xf32>
    %eq3A_244 = arith.constant 16 : i32
    %eq3A_245 = vector.broadcast %eq3A_244 : i32 to vector<256x512xi32>
    %eq3A_246 = arith.cmpi eq, %get3A_3, %eq3A_245 : vector<256x512xi32>
    %jit3A_247 = arith.constant 0.000000e+00 : f32
    %broadcast_in_dim3A_248 = vector.broadcast %jit3A_247 : f32 to vector<256x512xf32>
    %select_n3A_249 = arith.select %eq3A_246, %get3A_241, %broadcast_in_dim3A_248 : vector<256x512xi1>, vector<256x512xf32>
    %add3A_250 = arith.addf %add3A_235, %select_n3A_249 : vector<256x512xf32>
    %get3A_251 = arith.constant 0 : index
    %get3A_252 = arith.constant 17 : index
    %get3A_253 = arith.constant 0 : index
    %get3A_254 = arith.constant 0 : index
    %get3A_255 = vector.load %arg2[%get3A_251, %get3A_252, %get3A_253, %get3A_254] : memref<1x19x256x512xf32, #tpu.memory_space<vmem>>, vector<1x1x256x512xf32>
    %get3A_256 = vector.shape_cast %get3A_255 : vector<1x1x256x512xf32> to vector<256x512xf32>
    %exp3A_257 = math.exp %get3A_256 : vector<256x512xf32>
    %add3A_258 = arith.addf %add3A_243, %exp3A_257 : vector<256x512xf32>
    %eq3A_259 = arith.constant 17 : i32
    %eq3A_260 = vector.broadcast %eq3A_259 : i32 to vector<256x512xi32>
    %eq3A_261 = arith.cmpi eq, %get3A_3, %eq3A_260 : vector<256x512xi32>
    %jit3A_262 = arith.constant 0.000000e+00 : f32
    %broadcast_in_dim3A_263 = vector.broadcast %jit3A_262 : f32 to vector<256x512xf32>
    %select_n3A_264 = arith.select %eq3A_261, %get3A_256, %broadcast_in_dim3A_263 : vector<256x512xi1>, vector<256x512xf32>
    %add3A_265 = arith.addf %add3A_250, %select_n3A_264 : vector<256x512xf32>
    %get3A_266 = arith.constant 0 : index
    %get3A_267 = arith.constant 18 : index
    %get3A_268 = arith.constant 0 : index
    %get3A_269 = arith.constant 0 : index
    %get3A_270 = vector.load %arg2[%get3A_266, %get3A_267, %get3A_268, %get3A_269] : memref<1x19x256x512xf32, #tpu.memory_space<vmem>>, vector<1x1x256x512xf32>
    %get3A_271 = vector.shape_cast %get3A_270 : vector<1x1x256x512xf32> to vector<256x512xf32>
    %exp3A_272 = math.exp %get3A_271 : vector<256x512xf32>
    %add3A_273 = arith.addf %add3A_258, %exp3A_272 : vector<256x512xf32>
    %eq3A_274 = arith.constant 18 : i32
    %eq3A_275 = vector.broadcast %eq3A_274 : i32 to vector<256x512xi32>
    %eq3A_276 = arith.cmpi eq, %get3A_3, %eq3A_275 : vector<256x512xi32>
    %jit3A_277 = arith.constant 0.000000e+00 : f32
    %broadcast_in_dim3A_278 = vector.broadcast %jit3A_277 : f32 to vector<256x512xf32>
    %select_n3A_279 = arith.select %eq3A_276, %get3A_271, %broadcast_in_dim3A_278 : vector<256x512xi1>, vector<256x512xf32>
    %add3A_280 = arith.addf %add3A_265, %select_n3A_279 : vector<256x512xf32>
    %log3A = math.log %add3A_273 : vector<256x512xf32>
    %sub3A = arith.subf %log3A, %add3A_280 : vector<256x512xf32>
    %ge3A = arith.constant 0.356674939 : f32
    %ge3A_281 = vector.broadcast %ge3A : f32 to vector<256x512xf32>
    %ge3A_282 = arith.cmpf oge, %sub3A, %ge3A_281 : vector<256x512xf32>
    %convert_element_type3A = arith.extui %ge3A_282 : vector<256x512xi1> to vector<256x512xi32>
    %convert_element_type3A_283 = arith.sitofp %convert_element_type3A : vector<256x512xi32> to vector<256x512xf32>
    %reduce_sum3A = vector.shape_cast %convert_element_type3A_283 : vector<256x512xf32> to vector<1x256x512xf32>
    %reduce_sum3A_284 = arith.constant dense<0.000000e+00> : vector<1xf32>
    %reduce_sum3A_285 = vector.multi_reduction <add>, %reduce_sum3A, %reduce_sum3A_284 [1, 2] : vector<1x256x512xf32> to vector<1xf32>
    %reduce_sum3A_286 = vector.shape_cast %reduce_sum3A_285 : vector<1xf32> to vector<1x1x1xf32>
    %reduce_sum3A_287 = vector.extract %reduce_sum3A_286[0, 0, 0] : f32 from vector<1x1x1xf32>
    %jit3A_288 = arith.constant 0.000000e+00 : f32
    %broadcast_in_dim3A_289 = vector.broadcast %jit3A_288 : f32 to vector<256x512xf32>
    %select_n3A_290 = arith.select %ge3A_282, %sub3A, %broadcast_in_dim3A_289 : vector<256x512xi1>, vector<256x512xf32>
    %reduce_sum3A_291 = vector.shape_cast %select_n3A_290 : vector<256x512xf32> to vector<1x256x512xf32>
    %reduce_sum3A_292 = arith.constant dense<0.000000e+00> : vector<1xf32>
    %reduce_sum3A_293 = vector.multi_reduction <add>, %reduce_sum3A_291, %reduce_sum3A_292 [1, 2] : vector<1x256x512xf32> to vector<1xf32>
    %reduce_sum3A_294 = vector.shape_cast %reduce_sum3A_293 : vector<1xf32> to vector<1x1x1xf32>
    %reduce_sum3A_295 = vector.extract %reduce_sum3A_294[0, 0, 0] : f32 from vector<1x1x1xf32>
    %iota3A = tpu.iota {dimensions = array<i32: 1>} : vector<1x128xi32>
    %eq3A_296 = arith.constant 1 : i32
    %eq3A_297 = vector.broadcast %eq3A_296 : i32 to vector<1x128xi32>
    %eq3A_298 = arith.cmpi eq, %iota3A, %eq3A_297 : vector<1x128xi32>
    %jit3A_299 = arith.constant 0.000000e+00 : f32
    %broadcast_in_dim3A_300 = vector.broadcast %reduce_sum3A_287 : f32 to vector<1x128xf32>
    %broadcast_in_dim3A_301 = vector.broadcast %jit3A_299 : f32 to vector<1x128xf32>
    %select_n3A_302 = arith.select %eq3A_298, %broadcast_in_dim3A_300, %broadcast_in_dim3A_301 : vector<1x128xi1>, vector<1x128xf32>
    %eq3A_303 = arith.constant 2 : i32
    %eq3A_304 = vector.broadcast %eq3A_303 : i32 to vector<1x128xi32>
    %eq3A_305 = arith.cmpi eq, %iota3A, %eq3A_304 : vector<1x128xi32>
    %jit3A_306 = arith.constant 0.000000e+00 : f32
    %broadcast_in_dim3A_307 = vector.broadcast %reduce_sum3A_295 : f32 to vector<1x128xf32>
    %broadcast_in_dim3A_308 = vector.broadcast %jit3A_306 : f32 to vector<1x128xf32>
    %select_n3A_309 = arith.select %eq3A_305, %broadcast_in_dim3A_307, %broadcast_in_dim3A_308 : vector<1x128xi1>, vector<1x128xf32>
    %add3A_310 = arith.addf %select_n3A_302, %select_n3A_309 : vector<1x128xf32>
    %eq3A_311 = arith.constant 0 : i32
    %eq3A_312 = arith.cmpi eq, %arg0, %eq3A_311 : i32
    %eq3A_313 = arith.constant 0 : i32
    %eq3A_314 = arith.cmpi eq, %arg1, %eq3A_313 : i32
    %and3A = arith.andi %eq3A_312, %eq3A_314 : i1
    %convert_element_type3A_315 = arith.extui %and3A : i1 to i32
    %cond3A = arith.constant 0 : i32
    %cond3A_316 = arith.cmpi ne, %convert_element_type3A_315, %cond3A : i32
    scf.if %cond3A_316 {
      %swap3A = arith.constant 0 : index
      %swap3A_321 = arith.constant 0 : index
      %swap3A_322 = vector.load %arg4[%swap3A, %swap3A_321] : memref<1x128xf32, #tpu.memory_space<vmem>>, vector<1x128xf32>
      tpu.vector_store %arg4[%swap3A, %swap3A_321], %add3A_310 {strides = array<i32>} : memref<1x128xf32, #tpu.memory_space<vmem>>, vector<1x128xf32>,
    } else {
    }
    %not3A = arith.constant true
    %not3A_317 = arith.xori %and3A, %not3A : i1
    %convert_element_type3A_318 = arith.extui %not3A_317 : i1 to i32
    %cond3A_319 = arith.constant 0 : i32
    %cond3A_320 = arith.cmpi ne, %convert_element_type3A_318, %cond3A_319 : i32
    scf.if %cond3A_320 {
      %get3A_321 = arith.constant 0 : index
      %get3A_322 = arith.constant 0 : index
      %get3A_323 = vector.load %arg4[%get3A_321, %get3A_322] : memref<1x128xf32, #tpu.memory_space<vmem>>, vector<1x128xf32>
      %add3A_324 = arith.addf %get3A_323, %add3A_310 : vector<1x128xf32>
      %swap3A = arith.constant 0 : index
      %swap3A_325 = arith.constant 0 : index
      %swap3A_326 = vector.load %arg4[%swap3A, %swap3A_325] : memref<1x128xf32, #tpu.memory_space<vmem>>, vector<1x128xf32>
      tpu.vector_store %arg4[%swap3A, %swap3A_325], %add3A_324 {strides = array<i32>} : memref<1x128xf32, #tpu.memory_space<vmem>>, vector<1x128xf32>,
    } else {
    }
    return
  }
  func.func @transform_0(%arg0: i32, %arg1: i32) -> (i32, i32, i32, i32) {
    %c0_i32 = arith.constant 0 : i32
    %c0_i32_0 = arith.constant 0 : i32
    %c0_i32_1 = arith.constant 0 : i32
    return %arg0, %c0_i32, %arg1, %c0_i32_0 : i32, i32, i32, i32
  }
  func.func @transform_1(%arg0: i32, %arg1: i32) -> (i32, i32, i32) {
    %c0_i32 = arith.constant 0 : i32
    %c0_i32_0 = arith.constant 0 : i32
    return %arg0, %arg1, %c0_i32 : i32, i32, i32
  }
  func.func @transform_2(%arg0: i32, %arg1: i32) -> (i32, i32) {
    %c0_i32 = arith.constant 0 : i32
    %c0_i32_0 = arith.constant 0 : i32
    %c0_i32_1 = arith.constant 0 : i32
    return %c0_i32, %c0_i32_0 : i32, i32
  }
}

module attributes {stable_mosaic.version = 14 : i64} {
  func.func @_finish_body(%arg0: memref<16x512x512xf32, #tpu.memory_space<vmem>>, %arg1: memref<1x128xf32, #tpu.memory_space<vmem>>, %arg2: memref<1x128xf32, #tpu.memory_space<vmem>>) attributes {dimension_semantics = [], scalar_prefetch = 0 : i64, scratch_operands = 0 : i64, tpu.core_type = #tpu.core_type<tc>} {
    %get3A = arith.constant 0 : index
    %get3A_0 = arith.constant 0 : index
    %get3A_1 = arith.constant 0 : index
    %get3A_2 = vector.load %arg0[%get3A, %get3A_0, %get3A_1] : memref<16x512x512xf32, #tpu.memory_space<vmem>>, vector<16x512x512xf32>
    %get3A_3 = arith.constant 0 : index
    %get3A_4 = arith.constant 0 : index
    %get3A_5 = vector.load %arg1[%get3A_3, %get3A_4] : memref<1x128xf32, #tpu.memory_space<vmem>>, vector<1x1xf32>
    %get3A_6 = vector.extract %get3A_5[0, 0] : f32 from vector<1x1xf32>
    %le3A = vector.broadcast %get3A_6 : f32 to vector<16x512x512xf32>
    %le3A_7 = arith.cmpf ole, %get3A_2, %le3A : vector<16x512x512xf32>
    %convert_element_type3A = arith.extui %le3A_7 : vector<16x512x512xi1> to vector<16x512x512xi32>
    %convert_element_type3A_8 = arith.sitofp %convert_element_type3A : vector<16x512x512xi32> to vector<16x512x512xf32>
    %reduce_sum3A = vector.shape_cast %convert_element_type3A_8 : vector<16x512x512xf32> to vector<1x16x512x512xf32>
    %reduce_sum3A_9 = arith.constant dense<0.000000e+00> : vector<1xf32>
    %reduce_sum3A_10 = vector.multi_reduction <add>, %reduce_sum3A, %reduce_sum3A_9 [1, 2, 3] : vector<1x16x512x512xf32> to vector<1xf32>
    %reduce_sum3A_11 = vector.shape_cast %reduce_sum3A_10 : vector<1xf32> to vector<1x1x1x1xf32>
    %reduce_sum3A_12 = vector.extract %reduce_sum3A_11[0, 0, 0, 0] : f32 from vector<1x1x1x1xf32>
    %log3A = math.log %get3A_2 : vector<16x512x512xf32>
    %neg3A = arith.constant 0.000000e+00 : f32
    %neg3A_13 = vector.broadcast %neg3A : f32 to vector<16x512x512xf32>
    %neg3A_14 = arith.subf %neg3A_13, %log3A : vector<16x512x512xf32>
    %jit3A = arith.constant 0.000000e+00 : f32
    %broadcast_in_dim3A = vector.broadcast %jit3A : f32 to vector<16x512x512xf32>
    %select_n3A = arith.select %le3A_7, %neg3A_14, %broadcast_in_dim3A : vector<16x512x512xi1>, vector<16x512x512xf32>
    %reduce_sum3A_15 = vector.shape_cast %select_n3A : vector<16x512x512xf32> to vector<1x16x512x512xf32>
    %reduce_sum3A_16 = arith.constant dense<0.000000e+00> : vector<1xf32>
    %reduce_sum3A_17 = vector.multi_reduction <add>, %reduce_sum3A_15, %reduce_sum3A_16 [1, 2, 3] : vector<1x16x512x512xf32> to vector<1xf32>
    %reduce_sum3A_18 = vector.shape_cast %reduce_sum3A_17 : vector<1xf32> to vector<1x1x1x1xf32>
    %reduce_sum3A_19 = vector.extract %reduce_sum3A_18[0, 0, 0, 0] : f32 from vector<1x1x1x1xf32>
    %iota3A = tpu.iota {dimensions = array<i32: 1>} : vector<1x128xi32>
    %eq3A = arith.constant 0 : i32
    %eq3A_20 = vector.broadcast %eq3A : i32 to vector<1x128xi32>
    %eq3A_21 = arith.cmpi eq, %iota3A, %eq3A_20 : vector<1x128xi32>
    %jit3A_22 = arith.constant 0.000000e+00 : f32
    %broadcast_in_dim3A_23 = vector.broadcast %reduce_sum3A_12 : f32 to vector<1x128xf32>
    %broadcast_in_dim3A_24 = vector.broadcast %jit3A_22 : f32 to vector<1x128xf32>
    %select_n3A_25 = arith.select %eq3A_21, %broadcast_in_dim3A_23, %broadcast_in_dim3A_24 : vector<1x128xi1>, vector<1x128xf32>
    %eq3A_26 = arith.constant 1 : i32
    %eq3A_27 = vector.broadcast %eq3A_26 : i32 to vector<1x128xi32>
    %eq3A_28 = arith.cmpi eq, %iota3A, %eq3A_27 : vector<1x128xi32>
    %jit3A_29 = arith.constant 0.000000e+00 : f32
    %broadcast_in_dim3A_30 = vector.broadcast %reduce_sum3A_19 : f32 to vector<1x128xf32>
    %broadcast_in_dim3A_31 = vector.broadcast %jit3A_29 : f32 to vector<1x128xf32>
    %select_n3A_32 = arith.select %eq3A_28, %broadcast_in_dim3A_30, %broadcast_in_dim3A_31 : vector<1x128xi1>, vector<1x128xf32>
    %add3A = arith.addf %select_n3A_25, %select_n3A_32 : vector<1x128xf32>
    %swap3A = arith.constant 0 : index
    %swap3A_33 = arith.constant 0 : index
    %swap3A_34 = vector.load %arg2[%swap3A, %swap3A_33] : memref<1x128xf32, #tpu.memory_space<vmem>>, vector<1x128xf32>
    tpu.vector_store %arg2[%swap3A, %swap3A_33], %add3A {strides = array<i32>} : memref<1x128xf32, #tpu.memory_space<vmem>>, vector<1x128xf32>,
    return
  }
}

</mosaic_0001>

<sc_bundles>
// kernel: branch_0_fun.5.cloned.1.call-start
scs
__scs_entry_jumppad:
0x0: {  	(pc) =	sbr.rel $0x88, $3  }
0x1: {  	(tag) =	ssettag $0x0;
	lr =	simm.s32 $0x1  }
0x2: {  	[smem:$0x3F9F] =	sst lr;
	_ =	strace $0xD0000000  }
0x3: {  	_ = 	snop  }
0x4: {  	_ = 	snop  }
0x5: {  	_ = 	snop  }
0x6: {  	_ = 	snop  }
0x7: {  	_ = 	snop  }
__scs_overlays_trampoline_lowered:
0x8: {  	[smem:$0x3FAE] =	sst s0  }
0x9: {  	[smem:$0x3FAF] =	sst s1  }
0xa: {  	[smem:$0x3FB0] =	sst s2  }
0xb: {  	[smem:$0x3FB1] =	sst s3  }
0xc: {  	[smem:$0x3FB2] =	sst s4  }
0xd: {  	[smem:$0x3FB3] =	sst s5  }
0xe: {  	[smem:$0x3FB4] =	sst s6  }
0xf: {  	[smem:$0x3FB5] =	sst s7  }
0x10: {  	[smem:$0x3FB6] =	sst s8  }
0x11: {  	[smem:$0x3FB7] =	sst s9;
	s0 =	simm.s32 @!p0 $0x0  }
0x12: {  	s1 =	sld [smem:$0x3F9D];
	s0 =	simm.s32 @p0 $0x1  }
0x13: {  	[smem:$0x3FB8] =	sst s0;
	s0 =	simm.s32 @!p1 $0x0  }
0x14: {  	s2 =	sld [smem:$0x3F9C];
	s0 =	simm.s32 @p1 $0x1  }
0x15: {  	[smem:$0x3FB9] =	sst s0;
	s0 =	simm.s32 @!p2 $0x0  }
0x16: {  	s3 =	sld [smem:$0x3FDB];
	s0 =	simm.s32 @p2 $0x1  }
0x17: {  	s4 =	simm.s32 $0x1BF5;
	[smem:$0x3FBB] =	sst s0  }
0x18: {  	s0 =	sld [smem:$0x3F9E];
	_ =	swait.ge [sflag:s4], $0x0  }
0x19: {  	s7 =	sld [smem:$0x3F9F]  }
0x1a: {  	s8 =	sadd.s32 $0xFFFFE003, lr  }
0x1b: {  	s9 =	sadd.s32 $0xFFFFFEF7, lr;
	s5 =	simm.s32 $0xFFFFFFFF;
	p2 =	slt.u32 s8, $0xFFFFF086  }
0x1c: {  	p1 =	slt.u32 s9, $0xF7A;
	s5 =	simm.s32 @!p2 $0x0  }
0x1d: {  	s5 =	simm.s32 @p1 $0x1;
	p0 =	seq.s32 s7, s2  }
0x1e: {  	s7 =	smul.u32 @!p0 $0xF7A, s2;
	p2 =	seq.s32 @!p0 s5, $0x0  }
0x1f: {  	s9 =	smul.u32 $0xF7A, s1;
	s8 =	simm.s32 @!p0 $0x1BF5;
	p2 =	por !p2, p0  }
0x20: {  	[sflag:s8] =	ssyncset.s32 @!p0 $0xFFFFF086;
	s6 =	sadd.s32 @!p0 s3, s7;
	s7 =	simm.s32 @!p0 $0x108  }
0x21: {  	s3 =	sadd.s32 s3, s9;
	s6 =	sadd.s32 @!p0 $0x88, s6;
	s7 =	simm.s32 @p2 $0x1082  }
0x22: {  	[simem:s7], [sflag:s8] =	dma.local @!p0 [hbm:s6], $0xF7A  }
0x23: {  	s9 =	sor.u32 $0xD0000000, s2;
	s6 =	simm.s32 $0x108;
	_ =	swait.ge @!p0 [sflag:s8], $0x0  }
0x24: {  	s3 =	sadd.s32 $0x88, s3;
	s6 =	simm.s32 @!p1 $0x1082;
	[sflag:s4] =	ssyncset.s32 $0xFFFFF086  }
0x25: {  	[simem:s6], [sflag:s4] =	dma.local [hbm:s3], $0xF7A  }
0x26: {  	[smem:$0x3F9F] =	sst s1;
	(tag) =	ssettag s2;
	_ =	strace s9  }
0x27: {  	s1 =	sld [smem:$0x3FAF]  }
0x28: {  	s2 =	sld [smem:$0x3FB0]  }
0x29: {  	s4 =	sld [smem:$0x3FB2]  }
0x2a: {  	p0 =	seq.s32 s5, $0x0;
	s5 =	sld [smem:$0x3FB3]  }
0x2b: {  	s6 =	sld [smem:$0x3FB4]  }
0x2c: {  	s7 =	sld [smem:$0x3FB5]  }
0x2d: {  	s3 =	simm.s32 $0x108;
	s8 =	sld [smem:$0x3FB6]  }
0x2e: {  	s3 =	simm.s32 @!p0 $0x1082;
	s9 =	sld [smem:$0x3FB7]  }
0x2f: {  	lr =	sadd.s32 s0, s3;
	s0 =	sld [smem:$0x3FAE]  }
0x30: {  	s3 =	sld [smem:$0x3FB1]  }
0x31: {  	[smem:$0x3FBA] =	sst s10  }
0x32: {  	s10 =	sld [smem:$0x3FB8];
	_ =	sdelay $0x3  }
0x33: {  	p0 =	seq.s32 s10, $0x1;
	s10 =	sld [smem:$0x3FBA];
	_ =	sdelay $0x3  }
0x34: {  	[smem:$0x3FBA] =	sst s10  }
0x35: {  	s10 =	sld [smem:$0x3FB9];
	_ =	sdelay $0x3  }
0x36: {  	p1 =	seq.s32 s10, $0x1;
	s10 =	sld [smem:$0x3FBA];
	_ =	sdelay $0x3  }
0x37: {  	[smem:$0x3FBA] =	sst s10  }
0x38: {  	s10 =	sld [smem:$0x3FBB]  }
0x39: {  	_ = 	snop;
	(pc) =	sbr.ind lr, $3  }
0x3a: {  	_ = 	snop  }
0x3b: {  	_ = 	snop  }
0x3c: {  	p2 =	seq.s32 s10, $0x1;
	s10 =	sld [smem:$0x3FBA]  }
0x3d: {  	_ =	shalt  }
0x3e: {  	_ =	shalt  }
0x3f: {  	_ =	shalt  }
0x40: {  	_ =	shalt  }
0x41: {  	_ =	shalt  }
0x42: {  	_ =	shalt  }
0x43: {  	_ =	shalt  }
0x44: {  	_ =	shalt  }
0x45: {  	_ =	shalt  }
0x46: {  	_ =	shalt  }
0x47: {  	_ =	shalt  }
0x48: {  	_ =	shalt  }
0x49: {  	_ =	shalt  }
0x4a: {  	_ =	shalt  }
0x4b: {  	_ =	shalt  }
0x4c: {  	_ =	shalt  }
0x4d: {  	_ =	shalt  }
0x4e: {  	_ =	shalt  }
0x4f: {  	_ =	shalt  }
0x50: {  	_ =	shalt  }
0x51: {  	_ =	shalt  }
0x52: {  	_ =	shalt  }
0x53: {  	_ =	shalt  }
0x54: {  	_ =	shalt  }
0x55: {  	_ =	shalt  }
0x56: {  	_ =	shalt  }
0x57: {  	_ =	shalt  }
0x58: {  	_ =	shalt  }
0x59: {  	_ =	shalt  }
0x5a: {  	_ =	shalt  }
0x5b: {  	_ =	shalt  }
0x5c: {  	_ =	shalt  }
0x5d: {  	_ =	shalt  }
0x5e: {  	_ =	shalt  }
0x5f: {  	_ =	shalt  }
0x60: {  	_ =	shalt  }
0x61: {  	_ =	shalt  }
0x62: {  	_ =	shalt  }
0x63: {  	_ =	shalt  }
0x64: {  	_ =	shalt  }
0x65: {  	_ =	shalt  }
0x66: {  	_ =	shalt  }
0x67: {  	_ =	shalt  }
0x68: {  	_ =	shalt  }
0x69: {  	_ =	shalt  }
0x6a: {  	_ =	shalt  }
0x6b: {  	_ =	shalt  }
0x6c: {  	_ =	shalt  }
0x6d: {  	_ =	shalt  }
0x6e: {  	_ =	shalt  }
0x6f: {  	_ =	shalt  }
0x70: {  	_ =	shalt  }
0x71: {  	_ =	shalt  }
0x72: {  	_ =	shalt  }
0x73: {  	_ =	shalt  }
0x74: {  	_ =	shalt  }
0x75: {  	_ =	shalt  }
0x76: {  	_ =	shalt  }
0x77: {  	_ =	shalt  }
0x78: {  	_ =	shalt  }
0x79: {  	_ =	shalt  }
0x7a: {  	_ =	shalt  }
0x7b: {  	_ =	shalt  }
0x7c: {  	_ =	shalt  }
0x7d: {  	_ =	shalt  }
0x7e: {  	_ =	shalt  }
0x7f: {  	_ =	shalt  }
0x80: {  	_ =	shalt  }
0x81: {  	_ =	shalt  }
0x82: {  	_ =	shalt  }
0x83: {  	_ =	shalt  }
0x84: {  	_ =	shalt  }
0x85: {  	_ =	shalt  }
0x86: {  	_ =	shalt  }
0x87: {  	_ =	shalt  }
.Lfunc_end0:
.L_simem_size_0:
called_computation_lowered:
.L_overlay_start_0:
0x88: {  	s0 =	sld [smem:$0x3FD9]  }
0x89: {  	s1 =	sld [smem:$0x3FFE];
	_ =	sdelay $0x3  }
0x8a: {  	s0 =	sadd.s32 s1, s0  }
0x8b: {  	[smem:$0x3FC6] =	sst s0  }
0x8c: {  	_ = 	snop  }
0x8d: {  	s0 =	sld [smem:$0x3FD0];
	(tm) =	ssettm $0x1  }
0x8e: {  	s16 =	sld [smem:$0x3FFB];
	_ =	sdelay $0x3  }
0x8f: {  	_ =	strace s16  }
0x90: {  	s1 =	sld [smem:$0x3FFC];
	_ =	sdelay $0x3  }
0x91: {  	_ =	strace s1  }
0x92: {  	s1 =	sld [smem:$0x3FFD];
	_ =	sdelay $0x3  }
0x93: {  	_ =	strace s1  }
0x94: {  	_ =	strace $0x8FFFFFFF  }
0x95: {  	s17 =	sld [smem:$0x3FDB];
	_ =	sdelay $0x1  }
0x96: {  	s2 =	simm.s32 $_scs_section_size  }
0x97: {  	s3 =	simm.s32 $_size__tile_overlayer_lowered;
	s4 =	simm.s32 $_tile_overlayer_lowered  }
0x98: {  	s20 =	simm.s32 $0x1BFF;
	s19 =	sshll.u32 s4, $0x1;
	s1 =	sadd.s32 s2, s17  }
0x99: {  	s5 =	simm.s32 $0x0;
	s18 =	sshll.u32 s3, $0x1;
	s3 =	sadd.s32 s19, s1  }
0x9a: {  	[timem:s5], [sflag:s20] =	dma.local [hbm:s3], s18  }
0x9b: {  	_ =	swait.ge [sflag:s20], s18  }
0x9c: {  	s2 =	ssub.s32 $0x0, s18;
	[sflag:s20] =	ssyncset.done $0x0  }
0x9d: {  	[sflag:s20] =	ssyncadd.s32 s2;
	_ =	sdelay $0x1  }
0x9e: {  	s21 =	simm.s32 $0x1B8B  }
0x9f: {  	_ =	swait.ge [sflag:s21], $0x1  }
0xa0: {  	[sflag:s21] =	ssyncset.done $0x0  }
0xa1: {  	s23 =	simm.s32 $0x1B8E;
	s22 =	sld [smem:$0x3FFE];
	[sflag:s21] =	ssyncadd.s32 $0xFFFFFFFF  }
0xa2: {  	s24 =	simm.s32 $execute0_lowered;
	[smem:$0x3FD2] =	sst s23  }
0xa3: {  	s3 =	sshll.u32 s24, $0x1;
	_ =	strace $0x80000046;
	[dreg:$0x1] =	wrdreg $0xFFFFFFFF  }
0xa4: {  	s25 =	simm.s32 $_size_execute0_lowered;
	s1 =	sadd.s32 s1, s3;
	[dreg:$0x0] =	wrdreg $0x0  }
0xa5: {  	s3 =	sshll.u32 s25, $0x1;
	[dreg:$0x2] =	wrdreg s1  }
0xa6: {  	[dreg:$0x3] =	wrdreg s3  }
0xa7: {  	[dreg:$0x4] =	wrdreg $0xC0  }
0xa8: {  	_ =	task [dreg:s5], $0x5FFFF  }
0xa9: {  	[dreg:$0x1] =	wrdreg $0xFFFFFFFF  }
0xaa: {  	[dreg:$0x0] =	wrdreg $0x60  }
0xab: {  	[dreg:$0x2] =	wrdreg s22  }
0xac: {  	[dreg:$0x3] =	wrdreg s0  }
0xad: {  	[dreg:$0x4] =	wrdreg $0xA4800  }
0xae: {  	[dreg:$0x5] =	wrdreg $0x9  }
0xaf: {  	_ =	task.clear_ibuf [dreg:s5], $0x6FFFF;
	_ =	strace $0x90000046  }
0xb0: {  	s26 =	simm.s32 $0x9;
	_ =	strace $0x80000048  }
0xb1: {  	_ =	swait.ge [sflag:s26], $0x1  }
0xb2: {  	[sflag:s26] =	ssyncadd.s32 $0xFFFFFFFF  }
0xb3: {  	_ =	strace $0x90000048  }
0xb4: {  	_ =	sfence  }
0xb5: {  	s28 =	sld [smem:$0x0];
	_ =	sdelay $0x1  }
0xb6: {  	s29 =	srdreg.scid  }
0xb7: {  	s30 =	sshll.u32 s29, $0xD;
	s31 =	sshrl.u32 s29, $0x2  }
0xb8: {  	s2 =	sand.u32 $0x4000, s30;
	s1 =	sand.u32 $0x1, s29;
	s0 =	sadd.s32 s31, s28  }
0xb9: {  	s1 =	sor.u32 s2, s1;
	s0 =	sshll.u32 s0, $0x11  }
0xba: {  	s0 =	sor.u32 s0, s1  }
0xbb: {  	s0 =	sadd.s32 $0x8F2B, s0  }
0xbc: {  	[sflag:s0] =	ssyncadd.remote.s32 $0x1  }
0xbd: {  	_ =	sfence.sel $0xFFFF  }
0xbe: {  	[dreg:$0x0] =	wrdreg $0xFFFFFFFF;
	(pc) =	sbr.abs _section_cstart, $3  }
0xbf: {  	[dreg:$0x1] =	wrdreg $0xFFFFFFFF  }
0xc0: {  	_ =	task.clear_ibuf [dreg:s5], $0x2FFFF;
	_ =	strace $0x9FFFFFFF  }
0xc1: {  	(tm) =	ssettm $0x7FFFFFFF  }
tec
execute0_lowered:
.L_overlay_start_1:
0x0: {  	(tag) =	ssettag $0x1  }
0x1: {  	s2 =	rddreg [dreg:$0x0]  }
0x2: {  	s1 =	rddreg [dreg:$0x1]  }
0x3: {  	s3 =	rddreg [dreg:$0x2]  }
0x4: {  	s0 =	rddreg [dreg:$0x3];
	s4 =	simm.s32 $0x0  }
0x5: {  	s5 =	simm.s32 $0x40;
	s6 =	simm.s32 $0x0;
	[smem:$0x7FF] =	sst s4  }
0x6: {  	v0 =	vimm.s32 $0x0;
	s4 =	sadd.s32 $0x1000, s2;
	s2 =	stileid.u32;
	_ =	strace $0x80000047  }
.LBB2_1:
0x7: {  	p0 =	sne.s32 s5, $0xFFC0;
	[tilespmem:s6+$0x2000] =	vst v0;
	s6 =	smov.u32 s5;
	s5 =	sadd.s32 $0x40, s5  }
.Ltmp0:
0x8: {  	(pc) =	sbr.rel @p0 .LBB2_1-.Ltmp0, $2  }
0x9: {  	_ =	sdelay $0x2  }
0xa: {  	s6 =	sshra.s32 s6, $0x2  }
0xb: {  	s5 =	sshll.u32 s2, $0xF;
	v1 =	vlaneseq.u32;
	[tilespmem:s6+$0x2000] =	vst v0;
	s6 =	simm.s32 $0x1;
	s7 =	simm.s32 $0x2000  }
0xc: {  	s8 =	simm.s32 $0x0;
	s4 =	sadd.s32 s4, s5;
	s5 =	simm.s32 $0x0;
	v0 =	vmul.u32 $0x400, v1;
	v1 =	vimm.s32 $0x1  }
.LBB2_3:
0xd: {  	s9 =	sshll.u32 s8, $0xA  }
0xe: {  	s9 =	sadd.s32 s9, s4  }
0xf: {  	[tilespmem:s5], [sflag:$0x1] =	stream.linear.gather [hbm4b:s9+s5], $0x2000, $0x38;
	[tilespmem:$0xA880] =	vst v63  }
0x10: {  	_ =	swait.ge [sflag:s6], $0x2000  }
0x11: {  	[sflag:s6] =	ssyncset.done $0x0  }
0x12: {  	s10 =	simm.s32 $0x0;
	s9 =	simm.s32 $0x40;
	[sflag:s6] =	ssyncadd.s32 $0xFFFFE000  }
.LBB2_4:
0x13: {  	p0 =	sne.s32 s9, $0x7FC0;
	v2 =	vld [tilespmem:s10+$0x0];
	_ =	sdelay $0x4  }
0x14: {  	v2 =	vshrl.u32 v2, $0x14  }
0x15: {  	v3 =	vadd.s32 v0, v2  }
0x16: {  	v2 =	vand.u32 $0x7F, v2;
	v3 =	vand.u32 $0x7F80, v3  }
0x17: {  	v2 =	vor.u32 v2, v3  }
.Ltmp1:
0x18: {  	(pc) =	sbr.rel @p0 .LBB2_4-.Ltmp1, $2  }
0x19: {  	_ =	sdelay $0x2  }
0x1a: {  	s10 =	sshra.s32 s9, $0x2;
	s9 =	sadd.s32 $0x40, s9;
	[tilespmem:v2+s7+$0x0] =	vst.idx.add.s32.msk $0xffff, v1  }
0x1b: {  	v2 =	vld [tilespmem:s10+$0x0];
	_ =	sdelay $0x4  }
0x1c: {  	v2 =	vshrl.u32 v2, $0x14  }
0x1d: {  	v3 =	vadd.s32 v0, v2  }
0x1e: {  	s8 =	sadd.s32 $0x1, s8;
	v2 =	vand.u32 $0x7F, v2;
	v3 =	vand.u32 $0x7F80, v3  }
0x1f: {  	p0 =	sne.s32 s8, $0x20;
	v2 =	vor.u32 v2, v3  }
.Ltmp2:
0x20: {  	_ = 	snop;
	(pc) =	sbr.rel @p0 .LBB2_3-.Ltmp2, $2  }
0x21: {  	_ =	sdelay $0x2  }
0x22: {  	[tilespmem:v2+s7+$0x0] =	vst.idx.add.s32.msk $0xffff, v1  }
0x23: {  	s5 =	simm.s32 $0x0  }
0x24: {  	s5 =	sand.u32 $0x3F0, s5  }
0x25: {  	v0 =	vld [tilespmem:s5+$0x2400]  }
0x26: {  	v1 =	vld [tilespmem:s5+$0x2000]  }
0x27: {  	v2 =	vld [tilespmem:s5+$0x2800]  }
0x28: {  	v3 =	vld [tilespmem:s5+$0x2C00]  }
0x29: {  	v4 =	vld [tilespmem:s5+$0x3000]  }
0x2a: {  	v5 =	vld [tilespmem:s5+$0x3400]  }
0x2b: {  	v0 =	vadd.s32 v1, v0;
	v1 =	vld [tilespmem:s5+$0x3800]  }
0x2c: {  	v0 =	vadd.s32 v0, v2;
	v2 =	vld [tilespmem:s5+$0x3C00]  }
0x2d: {  	v0 =	vadd.s32 v0, v3;
	v3 =	vld [tilespmem:s5+$0x4000]  }
0x2e: {  	v60 =	vld [tilespmem:s5+$0x4400];
	v0 =	vadd.s32 v0, v4  }
0x2f: {  	v61 =	vld [tilespmem:s5+$0x4800];
	v0 =	vadd.s32 v0, v5  }
0x30: {  	v0 =	vadd.s32 v0, v1;
	v1 =	vld [tilespmem:s5+$0x4C00]  }
0x31: {  	v0 =	vadd.s32 v0, v2;
	v2 =	vld [tilespmem:s5+$0x5000]  }
0x32: {  	v0 =	vadd.s32 v0, v3;
	v3 =	vld [tilespmem:s5+$0x5400]  }
0x33: {  	v62 =	vld [tilespmem:s5+$0x5800];
	v0 =	vadd.s32 v0, v60  }
0x34: {  	v63 =	vld [tilespmem:s5+$0x5C00];
	v0 =	vadd.s32 v0, v61  }
0x35: {  	v0 =	vadd.s32 v0, v1  }
0x36: {  	v0 =	vadd.s32 v0, v2  }
0x37: {  	v0 =	vadd.s32 v0, v3  }
0x38: {  	v0 =	vadd.s32 v0, v62  }
0x39: {  	s6 =	simm.s32 $0x10;
	s5 =	simm.s32 $0x6000;
	v0 =	vadd.s32 v0, v63  }
0x3a: {  	s6 =	sand.u32 $0x3F0, s6;
	[tilespmem:s5+$0x0] =	vst v0  }
0x3b: {  	s7 =	simm.s32 $0x20;
	v0 =	vld [tilespmem:s6+$0x2400]  }
.LBB2_7:
0x3c: {  	p0 =	sne.s32 s7, $0x3F0;
	v1 =	vld [tilespmem:s6+$0x2000]  }
0x3d: {  	v2 =	vld [tilespmem:s6+$0x2800]  }
0x3e: {  	v3 =	vld [tilespmem:s6+$0x2C00]  }
0x3f: {  	v4 =	vld [tilespmem:s6+$0x3000]  }
0x40: {  	v5 =	vld [tilespmem:s6+$0x3400]  }
0x41: {  	v0 =	vadd.s32 v1, v0;
	v1 =	vld [tilespmem:s6+$0x3800]  }
0x42: {  	v0 =	vadd.s32 v0, v2;
	v2 =	vld [tilespmem:s6+$0x3C00]  }
0x43: {  	v0 =	vadd.s32 v0, v3;
	v3 =	vld [tilespmem:s6+$0x4000]  }
0x44: {  	v0 =	vadd.s32 v0, v4;
	v4 =	vld [tilespmem:s6+$0x4400]  }
0x45: {  	v0 =	vadd.s32 v0, v5;
	v5 =	vld [tilespmem:s6+$0x4800]  }
0x46: {  	v0 =	vadd.s32 v0, v1;
	v1 =	vld [tilespmem:s6+$0x4C00]  }
0x47: {  	v0 =	vadd.s32 v0, v2;
	v2 =	vld [tilespmem:s6+$0x5000]  }
0x48: {  	v0 =	vadd.s32 v0, v3;
	v3 =	vld [tilespmem:s6+$0x5400]  }
0x49: {  	v0 =	vadd.s32 v0, v4;
	v4 =	vld [tilespmem:s6+$0x5800]  }
0x4a: {  	v0 =	vadd.s32 v0, v5;
	v5 =	vld [tilespmem:s6+$0x5C00]  }
0x4b: {  	v0 =	vadd.s32 v0, v1  }
0x4c: {  	v0 =	vadd.s32 v0, v2  }
.Ltmp3:
0x4d: {  	v0 =	vadd.s32 v0, v3;
	(pc) =	sbr.rel @p0 .LBB2_7-.Ltmp3, $4  }
0x4e: {  	v0 =	vadd.s32 v0, v4  }
0x4f: {  	s5 =	sadd.s32 $0x10, s5;
	v0 =	vadd.s32 v0, v5  }
0x50: {  	s6 =	sand.u32 $0x3F0, s7;
	[tilespmem:s5+$0x0] =	vst v0  }
0x51: {  	s7 =	sadd.s32 $0x10, s7;
	v0 =	vld [tilespmem:s6+$0x2400]  }
0x52: {  	v1 =	vld [tilespmem:s6+$0x2000]  }
0x53: {  	v2 =	vld [tilespmem:s6+$0x2800]  }
0x54: {  	v3 =	vld [tilespmem:s6+$0x2C00]  }
0x55: {  	v4 =	vld [tilespmem:s6+$0x3000]  }
0x56: {  	v5 =	vld [tilespmem:s6+$0x3400]  }
0x57: {  	v0 =	vadd.s32 v1, v0;
	v1 =	vld [tilespmem:s6+$0x3800]  }
0x58: {  	v0 =	vadd.s32 v0, v2;
	v2 =	vld [tilespmem:s6+$0x3C00]  }
0x59: {  	v0 =	vadd.s32 v0, v3;
	v3 =	vld [tilespmem:s6+$0x4000]  }
0x5a: {  	v60 =	vld [tilespmem:s6+$0x4400];
	v0 =	vadd.s32 v0, v4  }
0x5b: {  	v61 =	vld [tilespmem:s6+$0x4800];
	v0 =	vadd.s32 v0, v5  }
0x5c: {  	v0 =	vadd.s32 v0, v1;
	v1 =	vld [tilespmem:s6+$0x4C00]  }
0x5d: {  	v0 =	vadd.s32 v0, v2;
	v2 =	vld [tilespmem:s6+$0x5000]  }
0x5e: {  	v0 =	vadd.s32 v0, v3;
	v3 =	vld [tilespmem:s6+$0x5400]  }
0x5f: {  	v62 =	vld [tilespmem:s6+$0x5800];
	v0 =	vadd.s32 v0, v60  }
0x60: {  	v63 =	vld [tilespmem:s6+$0x5C00];
	v0 =	vadd.s32 v0, v61  }
0x61: {  	v0 =	vadd.s32 v0, v1  }
0x62: {  	v0 =	vadd.s32 v0, v2  }
0x63: {  	s25 =	sshll.u32 s2, $0xA;
	s7 =	sshll.u32 s2, $0x7;
	v0 =	vadd.s32 v0, v3  }
0x64: {  	s8 =	sadd.s32 $0x10, s5;
	s26 =	simm.s32 $0x80;
	s6 =	sand.u32 $0x2000, s25;
	v0 =	vadd.s32 v0, v62  }
0x65: {  	s28 =	simm.s32 $0x400;
	s7 =	sand.u32 $0x380, s7;
	s6 =	sadd.s32 s6, s3;
	v0 =	vadd.s32 v0, v63  }
0x66: {  	s29 =	simm.s32 $0x6000;
	s30 =	simm.s32 $0x1;
	s5 =	sadd.s32 s7, s6;
	[tilespmem:s8+$0x0] =	vst v0  }
0x67: {  	[spmem:s5] =	stream.strided.scatter [tilespmem:s29], [sflag:$0x1], $0x400, s28, s26, $0x38;
	[tilespmem:$0xA880] =	vst v63  }
0x68: {  	_ =	swait.ge [sflag:s30], $0x400  }
0x69: {  	[sflag:s30] =	ssyncset.done $0x0  }
0x6a: {  	[sflag:s30] =	ssyncadd.s32 $0xFFFFFC00  }
0x6b: {  	s31 =	simm.s32 $0x6400;
	[bflag:$0x0] =	sbarrier.arrive $0xFFFF  }
0x6c: {  	[tilespmem:s31], [sflag:$0x1] =	stream.linear.gather [spmem:s3], $0x4000, $0x38;
	[tilespmem:$0xA880] =	vst v63  }
0x6d: {  	_ =	swait.ge [sflag:s30], $0x4000  }
0x6e: {  	s9 =	simm.s32 $0x0;
	s11 =	simm.s32 $0x0;
	[sflag:s30] =	ssyncset.done $0x0  }
0x6f: {  	s10 =	simm.s32 $0x0;
	s7 =	simm.s32 $0x0;
	[sflag:s30] =	ssyncadd.s32 $0xFFFFC000  }
0x70: {  	s6 =	simm.s32 $0x0;
	s8 =	simm.s32 $0x0;
	v0 =	vlaneseq.u32;
	[bflag:$0x0] =	sbarrier.arrive $0xFFFF  }
.LBB2_9:
0x71: {  	s12 =	sshll.u32 s10, $0x4  }
0x72: {  	s13 =	sand.u32 $0x70, s12  }
0x73: {  	s14 =	sshll.u32 s10, $0x7;
	v1 =	vmov s13  }
0x74: {  	s30 =	sand.u32 $0x1C00, s14  }
0x75: {  	s31 =	sand.u32 $0x2000, s8;
	s13 =	sadd.s32 $0x6400, s30  }
0x76: {  	s15 =	sand.u32 $0x380, s8;
	s14 =	sadd.s32 s31, s13  }
0x77: {  	s15 =	sadd.s32 s15, s14  }
0x78: {  	v3 =	vld.idx.msk [tilespmem:v1+s15+$0x0 ss:$0x1], $0xffff  }
0x79: {  	v2 =	vimm.s32 $0x0;
	s14 =	simm.s32 $0x400;
	s15 =	simm.s32 $0x80  }
.LBB2_10:
0x7a: {  	s16 =	sand.u32 $0x2000, s14;
	p0 =	sne.s32 s14, $0x3C00;
	s14 =	sadd.s32 $0x400, s14  }
.Ltmp4:
0x7b: {  	s17 =	sand.u32 $0x380, s15;
	s16 =	sadd.s32 s16, s13;
	(pc) =	sbr.rel @p0 .LBB2_10-.Ltmp4, $3  }
0x7c: {  	s16 =	sadd.s32 s17, s16  }
0x7d: {  	v2 =	vadd.s32 v2, v3;
	v3 =	vld.idx.msk [tilespmem:v1+s16+$0x0 ss:$0x1], $0xffff;
	_ =	sdelay $0x1  }
0x7e: {  	s15 =	sadd.s32 $0x80, s15  }
0x7f: {  	_ =	sdelay $0x1  }
0x80: {  	v1 =	vadd.s32 v2, v3  }
0x81: {  	(xrf0) =	vadd.scan.msk.s32 $0xffff, v1;
	_ =	sdelay $0x5  }
0x82: {  	v2, _, _ =	vpop (xrf0)  }
0x83: {  	v3 =	vadd.s32 s11, v2  }
0x84: {  	vm0 =	vgt.s32 v3, $0x40000  }
0x85: {  	v3 =	vmctz.xlane vm0;
	_ =	sdelay $0x1  }
0x86: {  	v3 =	vxor.u32 $0x80000000, v3  }
0x87: {  	(xrf0) =	vmax.scan.msk.u32 $0xffff, v3;
	_ =	sdelay $0x5  }
0x88: {  	(v2sf) =	vpush v2, $0xF;
	v3, _, _ =	vpop (xrf0)  }
0x89: {  	(v2sf) =	vpush v3, $0xF;
	_ =	sdelay $0xd  }
0x8a: {  	s13 =	spop (v2sf)  }
0x8b: {  	s14 =	spop (v2sf)  }
0x8c: {  	s14 =	sxor.u32 $0x80000000, s14  }
0x8d: {  	v3 =	vmov s14  }
0x8e: {  	vm15 =	veq.s32 v3, v0  }
0x8f: {  	v2 =	vnsel vm15, $0x0, v2  }
0x90: {  	v1 =	vnsel vm15, $0x0, v1;
	(xrf0) =	vadd.scan.msk.s32 $0xffff, v2  }
0x91: {  	(xrf0) =	vadd.scan.msk.s32 $0xffff, v1;
	_ =	sdelay $0x4  }
0x92: {  	v1, _, _ =	vpop (xrf0)  }
0x93: {  	(v2sf) =	vpush v1, $0xF;
	v1, _, _ =	vpop (xrf0)  }
0x94: {  	(v2sf) =	vpush v1, $0xF;
	_ =	sdelay $0x9  }
0x95: {  	s13 =	sadd.s32 s11, s13  }
0x96: {  	p0 =	seq.s32 s9, $0x0;
	s10 =	sadd.s32 $0x1, s10;
	p1 =	sgt.s32 s13, $0x40000  }
0x97: {  	p0 =	por !p0, !p1;
	p1 =	sne.s32 s10, $0x40  }
.Ltmp5:
0x98: {  	_ = 	snop;
	(pc) =	sbr.rel @p1 .LBB2_9-.Ltmp5, $4  }
0x99: {  	s15 =	spop (v2sf)  }
0x9a: {  	p0 =	por !p0, !p0;
	s16 =	spop (v2sf);
	s31 =	sadd.s32 s11, s15  }
0x9b: {  	s9 =	simm.s32 @p0 $0x1;
	s12 =	sadd.s32 s12, s14;
	s11 =	ssub.s32 s31, s16  }
0x9c: {  	s6 =	smov.u32 @p0 s12;
	s7 =	smov.u32 @p0 s11;
	s11 =	smov.u32 s13  }
0x9d: {  	v0 =	vimm.s32 $0x0;
	s8 =	simm.s32 $0x40;
	s9 =	simm.s32 $0x0  }
.LBB2_13:
0x9e: {  	p0 =	sne.s32 s8, $0xFFC0;
	[tilespmem:s9+$0x2000] =	vst v0;
	s9 =	smov.u32 s8;
	s8 =	sadd.s32 $0x40, s8  }
.Ltmp6:
0x9f: {  	(pc) =	sbr.rel @p0 .LBB2_13-.Ltmp6, $2  }
0xa0: {  	_ =	sdelay $0x2  }
0xa1: {  	s9 =	sshra.s32 s9, $0x2  }
0xa2: {  	s8 =	simm.s32 $0x0;
	v1 =	vlaneseq.u32  }
0xa3: {  	[tilespmem:s9+$0x2000] =	vst v0;
	v0 =	vmov s6;
	s9 =	simm.s32 $0x1;
	v2 =	vimm.s32 $0x1;
	s10 =	simm.s32 $0x2000;
	s11 =	simm.s32 $0x0;
	v1 =	vmul.u32 $0x400, v1  }
.LBB2_15:
0xa4: {  	s12 =	sshll.u32 s11, $0xA  }
0xa5: {  	s12 =	sadd.s32 s12, s4  }
0xa6: {  	[tilespmem:s8], [sflag:$0x1] =	stream.linear.gather [hbm4b:s12+s8], $0x2000, $0x38;
	[tilespmem:$0xA880] =	vst v63  }
0xa7: {  	_ =	swait.ge [sflag:s9], $0x2000  }
0xa8: {  	[sflag:s9] =	ssyncset.done $0x0  }
0xa9: {  	s13 =	simm.s32 $0x0;
	s12 =	simm.s32 $0x40;
	[sflag:s9] =	ssyncadd.s32 $0xFFFFE000  }
.LBB2_16:
0xaa: {  	p0 =	sne.s32 s12, $0x7FC0;
	v3 =	vld [tilespmem:s13+$0x0];
	_ =	sdelay $0x4  }
0xab: {  	v4 =	vshrl.u32 v3, $0xA;
	v3 =	vshrl.u32 v3, $0x14  }
0xac: {  	vm0 =	veq.s32 v3, v0;
	v3 =	vand.u32 $0x3FF, v4  }
0xad: {  	v3 =	vor.u32 v1, v3  }
.Ltmp7:
0xae: {  	(pc) =	sbr.rel @p0 .LBB2_16-.Ltmp7, $2  }
0xaf: {  	_ =	sdelay $0x2  }
0xb0: {  	s13 =	sshra.s32 s12, $0x2;
	s12 =	sadd.s32 $0x40, s12;
	[tilespmem:v3+s10+$0x0] =	vst.idx.add.s32.msk vm0, v2  }
0xb1: {  	v3 =	vld [tilespmem:s13+$0x0];
	_ =	sdelay $0x4  }
0xb2: {  	v4 =	vshrl.u32 v3, $0xA;
	v3 =	vshrl.u32 v3, $0x14  }
0xb3: {  	s11 =	sadd.s32 $0x1, s11;
	vm0 =	veq.s32 v3, v0;
	v3 =	vand.u32 $0x3FF, v4  }
0xb4: {  	p0 =	sne.s32 s11, $0x20;
	v3 =	vor.u32 v1, v3  }
.Ltmp8:
0xb5: {  	_ = 	snop;
	(pc) =	sbr.rel @p0 .LBB2_15-.Ltmp8, $2  }
0xb6: {  	_ =	sdelay $0x2  }
0xb7: {  	[tilespmem:v3+s10+$0x0] =	vst.idx.add.s32.msk vm0, v2  }
0xb8: {  	s8 =	simm.s32 $0x0  }
0xb9: {  	s8 =	sand.u32 $0x3F0, s8  }
0xba: {  	v0 =	vld [tilespmem:s8+$0x2400]  }
0xbb: {  	v1 =	vld [tilespmem:s8+$0x2000]  }
0xbc: {  	v2 =	vld [tilespmem:s8+$0x2800]  }
0xbd: {  	v3 =	vld [tilespmem:s8+$0x2C00]  }
0xbe: {  	v4 =	vld [tilespmem:s8+$0x3000]  }
0xbf: {  	v5 =	vld [tilespmem:s8+$0x3400]  }
0xc0: {  	v0 =	vadd.s32 v1, v0;
	v1 =	vld [tilespmem:s8+$0x3800]  }
0xc1: {  	v0 =	vadd.s32 v0, v2;
	v2 =	vld [tilespmem:s8+$0x3C00]  }
0xc2: {  	v0 =	vadd.s32 v0, v3;
	v3 =	vld [tilespmem:s8+$0x4000]  }
0xc3: {  	v60 =	vld [tilespmem:s8+$0x4400];
	v0 =	vadd.s32 v0, v4  }
0xc4: {  	v61 =	vld [tilespmem:s8+$0x4800];
	v0 =	vadd.s32 v0, v5  }
0xc5: {  	v0 =	vadd.s32 v0, v1;
	v1 =	vld [tilespmem:s8+$0x4C00]  }
0xc6: {  	v0 =	vadd.s32 v0, v2;
	v2 =	vld [tilespmem:s8+$0x5000]  }
0xc7: {  	v0 =	vadd.s32 v0, v3;
	v3 =	vld [tilespmem:s8+$0x5400]  }
0xc8: {  	v62 =	vld [tilespmem:s8+$0x5800];
	v0 =	vadd.s32 v0, v60  }
0xc9: {  	v63 =	vld [tilespmem:s8+$0x5C00];
	v0 =	vadd.s32 v0, v61  }
0xca: {  	v0 =	vadd.s32 v0, v1  }
0xcb: {  	v0 =	vadd.s32 v0, v2  }
0xcc: {  	v0 =	vadd.s32 v0, v3  }
0xcd: {  	v0 =	vadd.s32 v0, v62  }
0xce: {  	s9 =	simm.s32 $0x10;
	s8 =	simm.s32 $0x6000;
	v0 =	vadd.s32 v0, v63  }
0xcf: {  	s9 =	sand.u32 $0x3F0, s9;
	[tilespmem:s8+$0x0] =	vst v0  }
0xd0: {  	s10 =	simm.s32 $0x20;
	v0 =	vld [tilespmem:s9+$0x2400]  }
.LBB2_19:
0xd1: {  	p0 =	sne.s32 s10, $0x3F0;
	v1 =	vld [tilespmem:s9+$0x2000]  }
0xd2: {  	v2 =	vld [tilespmem:s9+$0x2800]  }
0xd3: {  	v3 =	vld [tilespmem:s9+$0x2C00]  }
0xd4: {  	v4 =	vld [tilespmem:s9+$0x3000]  }
0xd5: {  	v5 =	vld [tilespmem:s9+$0x3400]  }
0xd6: {  	v0 =	vadd.s32 v1, v0;
	v1 =	vld [tilespmem:s9+$0x3800]  }
0xd7: {  	v0 =	vadd.s32 v0, v2;
	v2 =	vld [tilespmem:s9+$0x3C00]  }
0xd8: {  	v0 =	vadd.s32 v0, v3;
	v3 =	vld [tilespmem:s9+$0x4000]  }
0xd9: {  	v0 =	vadd.s32 v0, v4;
	v4 =	vld [tilespmem:s9+$0x4400]  }
0xda: {  	v0 =	vadd.s32 v0, v5;
	v5 =	vld [tilespmem:s9+$0x4800]  }
0xdb: {  	v0 =	vadd.s32 v0, v1;
	v1 =	vld [tilespmem:s9+$0x4C00]  }
0xdc: {  	v0 =	vadd.s32 v0, v2;
	v2 =	vld [tilespmem:s9+$0x5000]  }
0xdd: {  	v0 =	vadd.s32 v0, v3;
	v3 =	vld [tilespmem:s9+$0x5400]  }
0xde: {  	v0 =	vadd.s32 v0, v4;
	v4 =	vld [tilespmem:s9+$0x5800]  }
0xdf: {  	v0 =	vadd.s32 v0, v5;
	v5 =	vld [tilespmem:s9+$0x5C00]  }
0xe0: {  	v0 =	vadd.s32 v0, v1  }
0xe1: {  	v0 =	vadd.s32 v0, v2  }
.Ltmp9:
0xe2: {  	v0 =	vadd.s32 v0, v3;
	(pc) =	sbr.rel @p0 .LBB2_19-.Ltmp9, $4  }
0xe3: {  	v0 =	vadd.s32 v0, v4  }
0xe4: {  	s8 =	sadd.s32 $0x10, s8;
	v0 =	vadd.s32 v0, v5  }
0xe5: {  	s9 =	sand.u32 $0x3F0, s10;
	[tilespmem:s8+$0x0] =	vst v0  }
0xe6: {  	s10 =	sadd.s32 $0x10, s10;
	v0 =	vld [tilespmem:s9+$0x2400]  }
0xe7: {  	v1 =	vld [tilespmem:s9+$0x2000]  }
0xe8: {  	v2 =	vld [tilespmem:s9+$0x2800]  }
0xe9: {  	v3 =	vld [tilespmem:s9+$0x2C00]  }
0xea: {  	v4 =	vld [tilespmem:s9+$0x3000]  }
0xeb: {  	v5 =	vld [tilespmem:s9+$0x3400]  }
0xec: {  	v0 =	vadd.s32 v1, v0;
	v1 =	vld [tilespmem:s9+$0x3800]  }
0xed: {  	v0 =	vadd.s32 v0, v2;
	v2 =	vld [tilespmem:s9+$0x3C00]  }
0xee: {  	v0 =	vadd.s32 v0, v3;
	v3 =	vld [tilespmem:s9+$0x4000]  }
0xef: {  	v60 =	vld [tilespmem:s9+$0x4400];
	v0 =	vadd.s32 v0, v4  }
0xf0: {  	v61 =	vld [tilespmem:s9+$0x4800];
	v0 =	vadd.s32 v0, v5  }
0xf1: {  	v0 =	vadd.s32 v0, v1;
	v1 =	vld [tilespmem:s9+$0x4C00]  }
0xf2: {  	v0 =	vadd.s32 v0, v2;
	v2 =	vld [tilespmem:s9+$0x5000]  }
0xf3: {  	v0 =	vadd.s32 v0, v3;
	v3 =	vld [tilespmem:s9+$0x5400]  }
0xf4: {  	v62 =	vld [tilespmem:s9+$0x5800];
	v0 =	vadd.s32 v0, v60  }
0xf5: {  	v63 =	vld [tilespmem:s9+$0x5C00];
	v0 =	vadd.s32 v0, v61  }
0xf6: {  	v0 =	vadd.s32 v0, v1  }
0xf7: {  	v0 =	vadd.s32 v0, v2  }
0xf8: {  	v0 =	vadd.s32 v0, v3  }
0xf9: {  	v0 =	vadd.s32 v0, v62  }
0xfa: {  	s8 =	sadd.s32 $0x10, s8;
	s28 =	simm.s32 $0x80;
	v0 =	vadd.s32 v0, v63  }
0xfb: {  	s29 =	simm.s32 $0x400;
	s10 =	simm.s32 $0x6000;
	s30 =	simm.s32 $0x1;
	[tilespmem:s8+$0x0] =	vst v0  }
0xfc: {  	[spmem:s5] =	stream.strided.scatter [tilespmem:s10], [sflag:$0x1], $0x400, s29, s28, $0x38;
	[tilespmem:$0xA880] =	vst v63  }
0xfd: {  	_ =	swait.ge [sflag:s30], $0x400  }
0xfe: {  	[sflag:s30] =	ssyncset.done $0x0  }
0xff: {  	[sflag:s30] =	ssyncadd.s32 $0xFFFFFC00  }
0x100: {  	s31 =	simm.s32 $0x6400;
	[bflag:$0x0] =	sbarrier.arrive $0xFFFF  }
0x101: {  	[tilespmem:s31], [sflag:$0x1] =	stream.linear.gather [spmem:s3], $0x4000, $0x38;
	[tilespmem:$0xA880] =	vst v63  }
0x102: {  	s7 =	ssub.s32 $0x40001, s7;
	_ =	swait.ge [sflag:s30], $0x4000  }
0x103: {  	s11 =	simm.s32 $0x0;
	s13 =	simm.s32 $0x0;
	[sflag:s30] =	ssyncset.done $0x0  }
0x104: {  	s12 =	simm.s32 $0x0;
	s9 =	simm.s32 $0x0;
	[sflag:s30] =	ssyncadd.s32 $0xFFFFC000  }
0x105: {  	v1 =	vlaneseq.u32;
	s8 =	simm.s32 $0x0;
	v0 =	vmov s7;
	s10 =	simm.s32 $0x0;
	[bflag:$0x0] =	sbarrier.arrive $0xFFFF  }
.LBB2_21:
0x106: {  	s14 =	sshll.u32 s12, $0x4  }
0x107: {  	s15 =	sand.u32 $0x70, s14  }
0x108: {  	s16 =	sshll.u32 s12, $0x7;
	v2 =	vmov s15  }
0x109: {  	s30 =	sand.u32 $0x1C00, s16  }
0x10a: {  	s31 =	sand.u32 $0x2000, s10;
	s15 =	sadd.s32 $0x6400, s30  }
0x10b: {  	s17 =	sand.u32 $0x380, s10;
	s16 =	sadd.s32 s31, s15  }
0x10c: {  	s17 =	sadd.s32 s17, s16  }
0x10d: {  	v4 =	vld.idx.msk [tilespmem:v2+s17+$0x0 ss:$0x1], $0xffff  }
0x10e: {  	v3 =	vimm.s32 $0x0;
	s16 =	simm.s32 $0x400;
	s17 =	simm.s32 $0x80  }
.LBB2_22:
0x10f: {  	s18 =	sand.u32 $0x2000, s16;
	p0 =	sne.s32 s16, $0x3C00;
	s16 =	sadd.s32 $0x400, s16  }
.Ltmp10:
0x110: {  	s19 =	sand.u32 $0x380, s17;
	s18 =	sadd.s32 s18, s15;
	(pc) =	sbr.rel @p0 .LBB2_22-.Ltmp10, $3  }
0x111: {  	s18 =	sadd.s32 s19, s18  }
0x112: {  	v3 =	vadd.s32 v3, v4;
	v4 =	vld.idx.msk [tilespmem:v2+s18+$0x0 ss:$0x1], $0xffff;
	_ =	sdelay $0x1  }
0x113: {  	s17 =	sadd.s32 $0x80, s17  }
0x114: {  	_ =	sdelay $0x1  }
0x115: {  	v2 =	vadd.s32 v3, v4  }
0x116: {  	(xrf0) =	vadd.scan.msk.s32 $0xffff, v2;
	_ =	sdelay $0x5  }
0x117: {  	v3, _, _ =	vpop (xrf0)  }
0x118: {  	v62 =	vadd.s32 s13, v3  }
0x119: {  	vm0 =	vge.s32 v62, v0  }
0x11a: {  	v4 =	vmctz.xlane vm0;
	_ =	sdelay $0x1  }
0x11b: {  	v4 =	vxor.u32 $0x80000000, v4  }
0x11c: {  	(xrf0) =	vmax.scan.msk.u32 $0xffff, v4;
	_ =	sdelay $0x5  }
0x11d: {  	(v2sf) =	vpush v3, $0xF;
	v4, _, _ =	vpop (xrf0)  }
0x11e: {  	(v2sf) =	vpush v4, $0xF;
	_ =	sdelay $0xd  }
0x11f: {  	s15 =	spop (v2sf)  }
0x120: {  	s16 =	spop (v2sf)  }
0x121: {  	s16 =	sxor.u32 $0x80000000, s16  }
0x122: {  	v63 =	vmov s16  }
0x123: {  	vm15 =	veq.s32 v63, v1  }
0x124: {  	v3 =	vnsel vm15, $0x0, v3  }
0x125: {  	v2 =	vnsel vm15, $0x0, v2;
	(xrf0) =	vadd.scan.msk.s32 $0xffff, v3  }
0x126: {  	(xrf0) =	vadd.scan.msk.s32 $0xffff, v2;
	_ =	sdelay $0x4  }
0x127: {  	v2, _, _ =	vpop (xrf0)  }
0x128: {  	(v2sf) =	vpush v2, $0xF;
	v2, _, _ =	vpop (xrf0)  }
0x129: {  	(v2sf) =	vpush v2, $0xF;
	_ =	sdelay $0x9  }
0x12a: {  	s15 =	sadd.s32 s13, s15  }
0x12b: {  	p0 =	seq.s32 s11, $0x0;
	s12 =	sadd.s32 $0x1, s12;
	p1 =	sge.s32 s15, s7  }
0x12c: {  	p0 =	por !p0, !p1;
	p1 =	sne.s32 s12, $0x40  }
.Ltmp11:
0x12d: {  	_ = 	snop;
	(pc) =	sbr.rel @p1 .LBB2_21-.Ltmp11, $4  }
0x12e: {  	s17 =	spop (v2sf)  }
0x12f: {  	p0 =	por !p0, !p0;
	s18 =	spop (v2sf);
	s31 =	sadd.s32 s13, s17  }
0x130: {  	s11 =	simm.s32 @p0 $0x1;
	s14 =	sadd.s32 s14, s16;
	s13 =	ssub.s32 s31, s18  }
0x131: {  	s9 =	smov.u32 @p0 s14;
	s8 =	smov.u32 @p0 s13;
	s13 =	smov.u32 s15  }
0x132: {  	v0 =	vimm.s32 $0x0;
	s10 =	simm.s32 $0x40;
	s11 =	simm.s32 $0x0  }
.LBB2_25:
0x133: {  	p0 =	sne.s32 s10, $0xFFC0;
	[tilespmem:s11+$0x2000] =	vst v0;
	s11 =	smov.u32 s10;
	s10 =	sadd.s32 $0x40, s10  }
.Ltmp12:
0x134: {  	(pc) =	sbr.rel @p0 .LBB2_25-.Ltmp12, $2  }
0x135: {  	_ =	sdelay $0x2  }
0x136: {  	s11 =	sshra.s32 s11, $0x2  }
0x137: {  	s6 =	sshll.u32 s6, $0xA  }
0x138: {  	v1 =	vlaneseq.u32;
	s10 =	simm.s32 $0x1;
	s6 =	sadd.s32 s6, s9  }
0x139: {  	[tilespmem:s11+$0x2000] =	vst v0;
	v2 =	vimm.s32 $0x1;
	s11 =	simm.s32 $0x2000;
	s12 =	simm.s32 $0x0;
	s9 =	simm.s32 $0x0;
	v1 =	vmul.u32 $0x400, v1;
	v0 =	vmov s6  }
.LBB2_27:
0x13a: {  	s13 =	sshll.u32 s12, $0xA  }
0x13b: {  	s13 =	sadd.s32 s13, s4  }
0x13c: {  	[tilespmem:s9], [sflag:$0x1] =	stream.linear.gather [hbm4b:s13+s9], $0x2000, $0x38;
	[tilespmem:$0xA880] =	vst v63  }
0x13d: {  	_ =	swait.ge [sflag:s10], $0x2000  }
0x13e: {  	[sflag:s10] =	ssyncset.done $0x0  }
0x13f: {  	s14 =	simm.s32 $0x0;
	s13 =	simm.s32 $0x40;
	[sflag:s10] =	ssyncadd.s32 $0xFFFFE000  }
.LBB2_28:
0x140: {  	p0 =	sne.s32 s13, $0x7FC0;
	v3 =	vld [tilespmem:s14+$0x0];
	_ =	sdelay $0x4  }
0x141: {  	v4 =	vshrl.u32 v3, $0xA  }
0x142: {  	v3 =	vand.u32 $0x3FF, v3;
	vm0 =	veq.s32 v4, v0  }
0x143: {  	v3 =	vor.u32 v1, v3  }
.Ltmp13:
0x144: {  	(pc) =	sbr.rel @p0 .LBB2_28-.Ltmp13, $2  }
0x145: {  	_ =	sdelay $0x2  }
0x146: {  	s14 =	sshra.s32 s13, $0x2;
	s13 =	sadd.s32 $0x40, s13;
	[tilespmem:v3+s11+$0x0] =	vst.idx.add.s32.msk vm0, v2  }
0x147: {  	v3 =	vld [tilespmem:s14+$0x0];
	_ =	sdelay $0x4  }
0x148: {  	v4 =	vshrl.u32 v3, $0xA  }
0x149: {  	s12 =	sadd.s32 $0x1, s12;
	v3 =	vand.u32 $0x3FF, v3;
	vm0 =	veq.s32 v4, v0  }
0x14a: {  	p0 =	sne.s32 s12, $0x20;
	v3 =	vor.u32 v1, v3  }
.Ltmp14:
0x14b: {  	_ = 	snop;
	(pc) =	sbr.rel @p0 .LBB2_27-.Ltmp14, $2  }
0x14c: {  	_ =	sdelay $0x2  }
0x14d: {  	[tilespmem:v3+s11+$0x0] =	vst.idx.add.s32.msk vm0, v2  }
0x14e: {  	s4 =	simm.s32 $0x0  }
0x14f: {  	s4 =	sand.u32 $0x3F0, s4  }
0x150: {  	v0 =	vld [tilespmem:s4+$0x2400]  }
0x151: {  	v1 =	vld [tilespmem:s4+$0x2000]  }
0x152: {  	v2 =	vld [tilespmem:s4+$0x2800]  }
0x153: {  	v3 =	vld [tilespmem:s4+$0x2C00]  }
0x154: {  	v4 =	vld [tilespmem:s4+$0x3000]  }
0x155: {  	v5 =	vld [tilespmem:s4+$0x3400]  }
0x156: {  	v0 =	vadd.s32 v1, v0;
	v1 =	vld [tilespmem:s4+$0x3800]  }
0x157: {  	v0 =	vadd.s32 v0, v2;
	v2 =	vld [tilespmem:s4+$0x3C00]  }
0x158: {  	v0 =	vadd.s32 v0, v3;
	v3 =	vld [tilespmem:s4+$0x4000]  }
0x159: {  	v60 =	vld [tilespmem:s4+$0x4400];
	v0 =	vadd.s32 v0, v4  }
0x15a: {  	v61 =	vld [tilespmem:s4+$0x4800];
	v0 =	vadd.s32 v0, v5  }
0x15b: {  	v0 =	vadd.s32 v0, v1;
	v1 =	vld [tilespmem:s4+$0x4C00]  }
0x15c: {  	v0 =	vadd.s32 v0, v2;
	v2 =	vld [tilespmem:s4+$0x5000]  }
0x15d: {  	v0 =	vadd.s32 v0, v3;
	v3 =	vld [tilespmem:s4+$0x5400]  }
0x15e: {  	v62 =	vld [tilespmem:s4+$0x5800];
	v0 =	vadd.s32 v0, v60  }
0x15f: {  	v63 =	vld [tilespmem:s4+$0x5C00];
	v0 =	vadd.s32 v0, v61  }
0x160: {  	v0 =	vadd.s32 v0, v1  }
0x161: {  	v0 =	vadd.s32 v0, v2  }
0x162: {  	v0 =	vadd.s32 v0, v3  }
0x163: {  	v0 =	vadd.s32 v0, v62  }
0x164: {  	s9 =	simm.s32 $0x10;
	s4 =	simm.s32 $0x6000;
	v0 =	vadd.s32 v0, v63  }
0x165: {  	s9 =	sand.u32 $0x3F0, s9;
	[tilespmem:s4+$0x0] =	vst v0  }
0x166: {  	s10 =	simm.s32 $0x20;
	v0 =	vld [tilespmem:s9+$0x2400]  }
.LBB2_31:
0x167: {  	p0 =	sne.s32 s10, $0x3F0;
	v1 =	vld [tilespmem:s9+$0x2000]  }
0x168: {  	v2 =	vld [tilespmem:s9+$0x2800]  }
0x169: {  	v3 =	vld [tilespmem:s9+$0x2C00]  }
0x16a: {  	v4 =	vld [tilespmem:s9+$0x3000]  }
0x16b: {  	v5 =	vld [tilespmem:s9+$0x3400]  }
0x16c: {  	v0 =	vadd.s32 v1, v0;
	v1 =	vld [tilespmem:s9+$0x3800]  }
0x16d: {  	v0 =	vadd.s32 v0, v2;
	v2 =	vld [tilespmem:s9+$0x3C00]  }
0x16e: {  	v0 =	vadd.s32 v0, v3;
	v3 =	vld [tilespmem:s9+$0x4000]  }
0x16f: {  	v0 =	vadd.s32 v0, v4;
	v4 =	vld [tilespmem:s9+$0x4400]  }
0x170: {  	v0 =	vadd.s32 v0, v5;
	v5 =	vld [tilespmem:s9+$0x4800]  }
0x171: {  	v0 =	vadd.s32 v0, v1;
	v1 =	vld [tilespmem:s9+$0x4C00]  }
0x172: {  	v0 =	vadd.s32 v0, v2;
	v2 =	vld [tilespmem:s9+$0x5000]  }
0x173: {  	v0 =	vadd.s32 v0, v3;
	v3 =	vld [tilespmem:s9+$0x5400]  }
0x174: {  	v0 =	vadd.s32 v0, v4;
	v4 =	vld [tilespmem:s9+$0x5800]  }
0x175: {  	v0 =	vadd.s32 v0, v5;
	v5 =	vld [tilespmem:s9+$0x5C00]  }
0x176: {  	v0 =	vadd.s32 v0, v1  }
0x177: {  	v0 =	vadd.s32 v0, v2  }
.Ltmp15:
0x178: {  	v0 =	vadd.s32 v0, v3;
	(pc) =	sbr.rel @p0 .LBB2_31-.Ltmp15, $4  }
0x179: {  	v0 =	vadd.s32 v0, v4  }
0x17a: {  	s4 =	sadd.s32 $0x10, s4;
	v0 =	vadd.s32 v0, v5  }
0x17b: {  	s9 =	sand.u32 $0x3F0, s10;
	[tilespmem:s4+$0x0] =	vst v0  }
0x17c: {  	s10 =	sadd.s32 $0x10, s10;
	v0 =	vld [tilespmem:s9+$0x2400]  }
0x17d: {  	v1 =	vld [tilespmem:s9+$0x2000]  }
0x17e: {  	v2 =	vld [tilespmem:s9+$0x2800]  }
0x17f: {  	v3 =	vld [tilespmem:s9+$0x2C00]  }
0x180: {  	v4 =	vld [tilespmem:s9+$0x3000]  }
0x181: {  	v5 =	vld [tilespmem:s9+$0x3400]  }
0x182: {  	v0 =	vadd.s32 v1, v0;
	v1 =	vld [tilespmem:s9+$0x3800]  }
0x183: {  	v0 =	vadd.s32 v0, v2;
	v2 =	vld [tilespmem:s9+$0x3C00]  }
0x184: {  	v0 =	vadd.s32 v0, v3;
	v3 =	vld [tilespmem:s9+$0x4000]  }
0x185: {  	v60 =	vld [tilespmem:s9+$0x4400];
	v0 =	vadd.s32 v0, v4  }
0x186: {  	v61 =	vld [tilespmem:s9+$0x4800];
	v0 =	vadd.s32 v0, v5  }
0x187: {  	v0 =	vadd.s32 v0, v1;
	v1 =	vld [tilespmem:s9+$0x4C00]  }
0x188: {  	v0 =	vadd.s32 v0, v2;
	v2 =	vld [tilespmem:s9+$0x5000]  }
0x189: {  	v0 =	vadd.s32 v0, v3;
	v3 =	vld [tilespmem:s9+$0x5400]  }
0x18a: {  	v62 =	vld [tilespmem:s9+$0x5800];
	v0 =	vadd.s32 v0, v60  }
0x18b: {  	v63 =	vld [tilespmem:s9+$0x5C00];
	v0 =	vadd.s32 v0, v61  }
0x18c: {  	v0 =	vadd.s32 v0, v1  }
0x18d: {  	v0 =	vadd.s32 v0, v2  }
0x18e: {  	v0 =	vadd.s32 v0, v3  }
0x18f: {  	v0 =	vadd.s32 v0, v62  }
0x190: {  	s4 =	sadd.s32 $0x10, s4;
	s28 =	simm.s32 $0x80;
	v0 =	vadd.s32 v0, v63  }
0x191: {  	s29 =	simm.s32 $0x400;
	s10 =	simm.s32 $0x6000;
	s30 =	simm.s32 $0x1;
	[tilespmem:s4+$0x0] =	vst v0  }
0x192: {  	[spmem:s5] =	stream.strided.scatter [tilespmem:s10], [sflag:$0x1], $0x400, s29, s28, $0x38;
	[tilespmem:$0xA880] =	vst v63  }
0x193: {  	_ =	swait.ge [sflag:s30], $0x400  }
0x194: {  	[sflag:s30] =	ssyncset.done $0x0  }
0x195: {  	[sflag:s30] =	ssyncadd.s32 $0xFFFFFC00  }
0x196: {  	s31 =	simm.s32 $0x6400;
	[bflag:$0x0] =	sbarrier.arrive $0xFFFF  }
0x197: {  	[tilespmem:s31], [sflag:$0x1] =	stream.linear.gather [spmem:s3], $0x4000, $0x38;
	[tilespmem:$0xA880] =	vst v63  }
0x198: {  	_ =	swait.ge [sflag:s30], $0x4000  }
0x199: {  	s9 =	simm.s32 $0x0;
	s4 =	simm.s32 $0x0;
	[sflag:s30] =	ssyncset.done $0x0  }
0x19a: {  	s5 =	simm.s32 $0x0;
	s3 =	ssub.s32 s7, s8;
	[sflag:s30] =	ssyncadd.s32 $0xFFFFC000  }
0x19b: {  	s7 =	simm.s32 $0x0;
	s8 =	simm.s32 $0x0;
	v0 =	vmov s3;
	[bflag:$0x0] =	sbarrier.arrive $0xFFFF  }
.LBB2_33:
0x19c: {  	s10 =	sshll.u32 s9, $0x4  }
0x19d: {  	s11 =	sand.u32 $0x70, s10  }
0x19e: {  	s12 =	sshll.u32 s9, $0x7;
	v1 =	vmov s11  }
0x19f: {  	s30 =	sand.u32 $0x1C00, s12  }
0x1a0: {  	s31 =	sand.u32 $0x2000, s5;
	s11 =	sadd.s32 $0x6400, s30  }
0x1a1: {  	s13 =	sand.u32 $0x380, s5;
	s12 =	sadd.s32 s31, s11  }
0x1a2: {  	s13 =	sadd.s32 s13, s12  }
0x1a3: {  	v3 =	vld.idx.msk [tilespmem:v1+s13+$0x0 ss:$0x1], $0xffff  }
0x1a4: {  	v2 =	vimm.s32 $0x0;
	s12 =	simm.s32 $0x400;
	s13 =	simm.s32 $0x80  }
.LBB2_34:
0x1a5: {  	s14 =	sand.u32 $0x2000, s12;
	p0 =	sne.s32 s12, $0x3C00;
	s12 =	sadd.s32 $0x400, s12  }
.Ltmp16:
0x1a6: {  	s15 =	sand.u32 $0x380, s13;
	s14 =	sadd.s32 s14, s11;
	(pc) =	sbr.rel @p0 .LBB2_34-.Ltmp16, $3  }
0x1a7: {  	s14 =	sadd.s32 s15, s14  }
0x1a8: {  	v2 =	vadd.s32 v2, v3;
	v3 =	vld.idx.msk [tilespmem:v1+s14+$0x0 ss:$0x1], $0xffff;
	_ =	sdelay $0x1  }
0x1a9: {  	s13 =	sadd.s32 $0x80, s13  }
0x1aa: {  	_ =	sdelay $0x1  }
0x1ab: {  	v1 =	vadd.s32 v2, v3  }
0x1ac: {  	(xrf0) =	vadd.scan.msk.s32 $0xffff, v1;
	_ =	sdelay $0x5  }
0x1ad: {  	v1, _, _ =	vpop (xrf0)  }
0x1ae: {  	v2 =	vadd.s32 s8, v1  }
0x1af: {  	vm0 =	vge.s32 v2, v0  }
0x1b0: {  	v2 =	vmctz.xlane vm0;
	_ =	sdelay $0x1  }
0x1b1: {  	v2 =	vxor.u32 $0x80000000, v2  }
0x1b2: {  	(xrf0) =	vmax.scan.msk.u32 $0xffff, v2;
	_ =	sdelay $0x1  }
0x1b3: {  	(v2sf) =	vpush v1, $0xF;
	_ =	sdelay $0x3  }
0x1b4: {  	v1, _, _ =	vpop (xrf0)  }
0x1b5: {  	(v2sf) =	vpush v1, $0xF;
	_ =	sdelay $0x9  }
0x1b6: {  	s11 =	spop (v2sf)  }
0x1b7: {  	s8 =	sadd.s32 s8, s11  }
0x1b8: {  	p0 =	seq.s32 s7, $0x0;
	s9 =	sadd.s32 $0x1, s9;
	p1 =	sge.s32 s8, s3  }
0x1b9: {  	p0 =	por !p0, !p1;
	p1 =	sne.s32 s9, $0x40  }
.Ltmp17:
0x1ba: {  	_ = 	snop;
	(pc) =	sbr.rel @p1 .LBB2_33-.Ltmp17, $4  }
0x1bb: {  	s31 =	spop (v2sf)  }
0x1bc: {  	s10 =	sadd.s32 s31, s10  }
0x1bd: {  	p0 =	por !p0, !p0;
	s10 =	sadd.s32 $0x80000000, s10  }
0x1be: {  	s7 =	simm.s32 @p0 $0x1;
	s4 =	smov.u32 @p0 s10  }
0x1bf: {  	s3 =	sshll.u32 s6, $0xA  }
0x1c0: {  	s3 =	sadd.s32 s3, s4  }
0x1c1: {  	v0 =	vmov s3  }
0x1c2: {  	v0 =	vmax.f32 v0, $6.999999880e-01  }
0x1c3: {  	v0 =	vbroadcast v0, $0x0;
	_ =	sdelay $0x1  }
0x1c4: {  	p0 =	sne.s32 s2, $0x0;
	[tilespmem:$0xA400] =	vst v0  }
0x1c5: {  	_ =	sfence.sel @p0 $0x180000  }
0x1c6: {  	[bflag:$0x0] =	sbarrier.arrive @p0 $0xFFFF  }
0x1c7: {  	_ =	strace @p0 $0x90000047  }
0x1c8: {  	s2 =	simm.s32 @!p0 $0x0;
	s3 =	simm.s32 @!p0 $0xA400;
	[bflag:$0x2] =	sbarrier.arrive @p0 $0xFFFF  }
0x1c9: {  	[hbm4b:s1+s2] =	stream.linear.scatter @!p0 [tilespmem:s3], [sflag:$0x1], $0x80, $0x38;
	[tilespmem:$0xA880] =	vst v63  }
0x1ca: {  	s1 =	simm.s32 @!p0 $0x1  }
0x1cb: {  	_ =	swait.ge @!p0 [sflag:s1], $0x80  }
0x1cc: {  	[sflag:s1] =	ssyncset.done @!p0 $0x0  }
0x1cd: {  	[sflag:s1] =	ssyncadd.s32 @!p0 $0xFFFFFF80  }
0x1ce: {  	_ =	sfence.sel @!p0 $0x180000  }
0x1cf: {  	[bflag:$0x0] =	sbarrier.arrive @!p0 $0xFFFF  }
0x1d0: {  	_ =	strace @!p0 $0x90000047  }
0x1d1: {  	s0 =	sadd.s32 @!p0 $0x100000, s0;
	[bflag:$0x2] =	sbarrier.arrive @!p0 $0xFFFF  }
0x1d2: {  	[sflag:s0] =	ssyncadd.tile.s32 @!p0 $0x1;
	_ =	shalt  }
.Lfunc_end2:
_tile_overlayer_lowered:
.L_overlay_start_2:
0x1d3: {  	(tag) =	ssettag $0x2  }
0x1d4: {  	s0 =	rddreg [dreg:$0x0];
	s2 =	stileid.u32  }
0x1d5: {  	s1 =	rddreg [dreg:$0x1];
	p0 =	sne.s32 s2, $0x0  }
0x1d6: {  	s3 =	rddreg [dreg:$0x2];
	[bflag:$0x3] =	sbarrier.arrive $0xFFFF;
	s2 =	simm.s32 @!p0 $0x1C01  }
0x1d7: {  	[timem:s3], [sflag:s2] =	dma.local @!p0 [hbm:s0], s1  }
0x1d8: {  	s0 =	simm.s32 @!p0 $0x1  }
0x1d9: {  	_ =	swait.ge @!p0 [sflag:s0], s1  }
0x1da: {  	s1 =	ssub.s32 @!p0 $0x0, s1;
	[sflag:s0] =	ssyncset.done @!p0 $0x0  }
0x1db: {  	[sflag:s0] =	ssyncadd.s32 @!p0 s1  }
0x1dc: {  	[bflag:$0x3] =	sbarrier.arrive $0xFFFF  }
0x1dd: {  	_ =	shalt  }

</sc_bundles>
